<compile_context>
chip_gen: v7x
topology: tpu7x:2x2x1
jax: 0.10.2.dev20260603
libtpu: 0.0.44.dev20260713+nightly
codegen_flags: <defaults>
</compile_context>

<pallas_src>
import jax
import jax.numpy as jnp
from jax import lax
from jax.experimental import pallas as pl
from jax.experimental.pallas import tpu as pltpu
from jax.experimental.pallas import tpu_sc as plsc

F = 26
D = 64
B = 4096
SEG = 38462
TOTAL = F * SEG
NC, NS = 2, 16
NW = NC * NS
DQ = 8
NTASK = F * (D // DQ)
WWIN = 4096
NWIN = 10
TAIL0 = (TOTAL // 128) * 128
WMAX = ((TOTAL - WWIN) // 128) * 128


def _sc_body(tableT, sb_hbm, sv_hbm, bnd_hbm, tail, outT,
             sb_v, sv_v, bnd_v, win_v, acc_v, tail_v, sem0, sem1):
    cc = lax.axis_index("c")
    ss = lax.axis_index("s")
    wid = ss * NC + cc
    iota = lax.broadcasted_iota(jnp.int32, (16,), 0)
    pltpu.sync_copy(tail, tail_v)
    sems = (sem0, sem1)

    def taskloop(ti, tcarry):
        t = ti * NW + wid

        @pl.when(t < NTASK)
        def _task():
            f = t % F
            dq = t // F
            d0 = pl.multiple_of(dq * DQ, DQ)
            fb = pl.multiple_of(f * B, B)
            w0s = pl.multiple_of(f * SEG // 128 * 128, 128)

            def w0_of(wi):
                return pl.multiple_of(
                    jnp.minimum(w0s + wi * WWIN, WMAX), 128)

            def issue(wi, buf, sem):
                pltpu.async_copy(
                    tableT.at[pl.ds(d0, DQ), pl.ds(w0_of(wi), WWIN)],
                    win_v.at[buf], sem)

            def wait(wi, buf, sem):
                pltpu.make_async_copy(
                    tableT.at[pl.ds(d0, DQ), pl.ds(w0_of(wi), WWIN)],
                    win_v.at[buf], sem).wait()

            def process(wi, buf):
                w0 = w0_of(wi)
                s0 = bnd_v[pl.ds(wi, 16)][0]
                e0 = bnd_v[pl.ds(64 + wi, 16)][0]
                wv = win_v.at[buf]

                def hblock(bi, _):
                    h0 = s0 + bi * 16
                    hb = sb_v[pl.ds(h0, 16)] & (B - 1)
                    hv = sv_v[pl.ds(h0, 16)]
                    vm = (h0 + iota) < e0
                    cvec = (hv - w0) & (WWIN - 1)
                    for dl in range(DQ):
                        dsp = jnp.full((16,), dl, jnp.int32)
                        vals = plsc.load_gather(wv, [dsp, cvec])
                        plsc.store_scatter(acc_v, [dsp, hb], vals, mask=vm)
                    return _

                lax.fori_loop(0, (e0 - s0 + 15) >> 4, hblock, 0)

            issue(0, 0, sem0)
            issue(1, 1, sem1)
            pltpu.sync_copy(sb_hbm.at[pl.ds(fb, B)], sb_v.at[pl.ds(0, B)])
            pltpu.sync_copy(sv_hbm.at[pl.ds(fb, B)], sv_v.at[pl.ds(0, B)])
            pltpu.sync_copy(bnd_hbm.at[pl.ds(pl.multiple_of(f * 128, 128),
                                             128)], bnd_v)

            def wpair(p, carry):
                w_a = 2 * p
                wait(w_a, 0, sem0)
                process(w_a, 0)

                @pl.when(w_a + 2 < NWIN)
                def _():
                    issue(w_a + 2, 0, sem0)

                wait(w_a + 1, 1, sem1)
                process(w_a + 1, 1)

                @pl.when(w_a + 3 < NWIN)
                def _():
                    issue(w_a + 3, 1, sem1)
                return carry

            lax.fori_loop(0, NWIN // 2, wpair, 0)

            s0 = bnd_v[pl.ds(NWIN, 16)][0]
            e0 = bnd_v[pl.ds(64 + NWIN, 16)][0]

            def tblock(bi, _):
                h0 = s0 + bi * 16
                hb = sb_v[pl.ds(h0, 16)] & (B - 1)
                hv = sv_v[pl.ds(h0, 16)]
                vm = (h0 + iota) < e0
                rvec = (hv - TAIL0) & 127
                for dl in range(DQ):
                    dsp = jnp.full((16,), dl, jnp.int32)
                    vals = plsc.load_gather(tail_v, [rvec, d0 + dsp])
                    plsc.store_scatter(acc_v, [dsp, hb], vals, mask=vm)
                return _

            lax.fori_loop(0, (e0 - s0 + 15) >> 4, tblock, 0)

            pltpu.sync_copy(
                acc_v,
                outT.at[pl.ds(pl.multiple_of(f * D + dq * DQ, DQ), DQ)])
        return tcarry

    lax.fori_loop(0, (NTASK + NW - 1) // NW, taskloop, 0)


def _sc_gather_t(tableT, sb, sv, bnd, tail):
    mesh = plsc.VectorSubcoreMesh(
        core_axis_name="c", subcore_axis_name="s", num_cores=NC, num_subcores=NS
    )
    return pl.kernel(
        _sc_body,
        out_type=jax.ShapeDtypeStruct((F * D, B), jnp.float32),
        mesh=mesh,
        scratch_types=[
            pltpu.VMEM((B + 16,), jnp.int32),
            pltpu.VMEM((B + 16,), jnp.int32),
            pltpu.VMEM((128,), jnp.int32),
            pltpu.VMEM((2, DQ, WWIN), jnp.float32),
            pltpu.VMEM((DQ, B), jnp.float32),
            pltpu.VMEM((128, 128), jnp.float32),
            pltpu.SemaphoreType.DMA,
            pltpu.SemaphoreType.DMA,
        ],
        compiler_params=pltpu.CompilerParams(
            use_tc_tiling_on_sc=True, needs_layout_passes=False),
        name="sc_emb_gather_t",
    )(tableT, sb, sv, bnd, tail)


def _mlp_body(x_ref, w1, b1, g1, be1, rm1, rv1, w2, b2, g2, be2, rm2, rv2,
              w3, b3, g3, be3, rm3, rv3, wo, bo, out_ref):
    h = lax.dot_general(x_ref[...], w1[...], (((0,), (1,)), ((), ())),
                        preferred_element_type=jnp.float32)
    for first, (w, b, g, be, rm, rv) in (
            (True, (w1, b1, g1, be1, rm1, rv1)),
            (False, (w2, b2, g2, be2, rm2, rv2)),
            (False, (w3, b3, g3, be3, rm3, rv3))):
        if not first:
            h = lax.dot_general(h, w[...], (((1,), (1,)), ((), ())),
                                preferred_element_type=jnp.float32)
        scale = g[...] * lax.rsqrt(rv[...] + 1e-5)
        h = (h + (b[...] - rm[...])) * scale + be[...]
        h = jnp.maximum(h, 0.0)
    o = lax.dot_general(wo[...], h, (((1,), (1,)), ((), ())),
                        preferred_element_type=jnp.float32)
    out_ref[...] = jax.nn.sigmoid(o + bo[...])[0]


def _tc_mlp(xT, w1, b1, g1, be1, rm1, rv1, w2, b2, g2, be2, rm2, rv2,
            w3, b3, g3, be3, rm3, rv3, wo, bo):
    blk = 1024
    grid = (B // blk,)
    full = lambda shape: pl.BlockSpec(shape, lambda m: (0,) * len(shape))
    in_specs = [
        pl.BlockSpec((F * D, blk), lambda m: (0, m)),
        full((1024, F * D)), full((1024,)), full((1024,)), full((1024,)),
        full((1024,)), full((1024,)),
        full((512, 1024)), full((512,)), full((512,)), full((512,)),
        full((512,)), full((512,)),
        full((256, 512)), full((256,)), full((256,)), full((256,)),
        full((256,)), full((256,)),
        full((1, 256)), full((1, 1)),
    ]
    out = pl.pallas_call(
        _mlp_body,
        grid=grid,
        in_specs=in_specs,
        out_specs=pl.BlockSpec((blk,), lambda m: (m,)),
        out_shape=jax.ShapeDtypeStruct((B,), jnp.float32),
        name="tc_mlp",
    )(xT, w1, b1, g1, be1, rm1, rv1, w2, b2, g2, be2, rm2, rv2,
      w3, b3, g3, be3, rm3, rv3, wo, bo.reshape(1, 1))
    return out


def kernel(field, emb_table, W1, b1, g1, be1, rm1, rv1, W2, b2, g2, be2,
           rm2, rv2, W3, b3, g3, be3, rm3, rv3, Wo, bo):
    offsets = jnp.arange(F, dtype=jnp.int32) * SEG
    fieldT = field.T
    bio = lax.broadcasted_iota(jnp.int32, (F, B), 1)
    w0s = (offsets // 128) * 128
    idxT = fieldT + offsets[:, None]
    shift = WWIN.bit_length() - 1
    win = jnp.where(idxT >= TAIL0, NWIN, (idxT - w0s[:, None]) >> shift)
    counts = jnp.sum(
        win[:, :, None] == jnp.arange(NWIN + 1)[None, None, :], axis=1,
        dtype=jnp.int32)
    csum = jnp.cumsum(counts, axis=1, dtype=jnp.int32)
    starts = csum - counts
    ends = csum
    sp = jnp.sort(fieldT * B + bio, axis=1)
    sbT = sp & (B - 1)
    svT = (sp >> 12) + offsets[:, None]
    bnd = jnp.zeros((F, 128), jnp.int32)
    bnd = bnd.at[:, :NWIN + 1].set(starts).at[:, 64:64 + NWIN + 1].set(ends)
    tableT = emb_table.T
    tail = jnp.pad(emb_table[TAIL0:, :],
                   ((0, 128 - (TOTAL - TAIL0)), (0, 64)))
    xT = _sc_gather_t(tableT, sbT.reshape(-1), svT.reshape(-1),
                      bnd.reshape(-1), tail)
    W1p = W1.reshape(1024, D, F).transpose(0, 2, 1).reshape(1024, F * D)
    return _tc_mlp(xT, W1p, b1, g1, be1, rm1, rv1, W2, b2, g2, be2, rm2, rv2,
                   W3, b3, g3, be3, rm3, rv3, Wo, bo)

# --- scband reference (transcript-rebuilt; emitter-appended) ---
"""Pipeline reference for scband-ada-fs-soft-84670985273398 (READ-ONLY COPY).

The authoritative reference and input builder live on the scoring server;
editing this copy changes nothing except your own understanding.
"""

import jax, jax.numpy as jnp
import numpy as np

FIELD_DIMS = [38462] * 26
EMBED_DIM = 64
BATCH = 4096
MLP_DIMS = [1024, 512, 256]
IN_DIM = 26 * EMBED_DIM


def _bn(h, g, b, rm, rv):
    # eval-mode BatchNorm1d with running stats
    return (h - rm) / jnp.sqrt(rv + 1e-5) * g + b


def setup_inputs(seed: int = 0) -> dict:
    key = jax.random.key(seed)
    ks = jax.random.split(key, 32)
    inp = {}
    inp['field'] = jax.random.randint(ks[0], (BATCH, 26), 0, 38462, dtype=jnp.int32)
    total = int(np.sum(FIELD_DIMS))
    inp['emb_table'] = jax.random.normal(ks[1], (total, EMBED_DIM), dtype=jnp.float32) * 0.02
    prev = IN_DIM
    i = 2
    for li, d in enumerate(MLP_DIMS, start=1):
        inp['W%d' % li] = jax.random.normal(ks[i], (d, prev), dtype=jnp.float32) * (1.0 / np.sqrt(prev)); i += 1
        inp['b%d' % li] = jnp.zeros((d,), dtype=jnp.float32)
        inp['g%d' % li] = jnp.ones((d,), dtype=jnp.float32)
        inp['be%d' % li] = jnp.zeros((d,), dtype=jnp.float32)
        inp['rm%d' % li] = jnp.zeros((d,), dtype=jnp.float32)
        inp['rv%d' % li] = jnp.ones((d,), dtype=jnp.float32)
        prev = d
    inp['Wo'] = jax.random.normal(ks[i], (1, prev), dtype=jnp.float32) * (1.0 / np.sqrt(prev))
    inp['bo'] = jnp.zeros((1,), dtype=jnp.float32)
    return inp


def reference(field, emb_table, W1, b1, g1, be1, rm1, rv1, W2, b2, g2, be2, rm2, rv2, W3, b3, g3, be3, rm3, rv3, Wo, bo):
    # EMB: offsets per field, gather, transpose(1,2)
    offsets = jnp.asarray(np.concatenate([[0], np.cumsum(FIELD_DIMS)[:-1]]).astype(np.int32))
    idx = field + offsets[None, :]
    emb = jnp.take(emb_table, idx, axis=0)  # (B, F, D)
    emb = jnp.transpose(emb, (0, 2, 1))     # (B, D, F) == torch .transpose(1, 2)
    # useBN=False, controller unused (stage == -1)
    x = emb.reshape(emb.shape[0], -1).astype(jnp.float32)
    for (W, b, g, be, rm, rv) in ((W1, b1, g1, be1, rm1, rv1), (W2, b2, g2, be2, rm2, rv2), (W3, b3, g3, be3, rm3, rv3)):
        x = x @ W.T + b
        x = _bn(x, g, be, rm, rv)
        x = jax.nn.relu(x)
        # Dropout is identity in eval mode
    out = x @ Wo.T + bo
    return jax.nn.sigmoid(out[:, 0])

if __name__ == "__main__":
    import jax
    _d = setup_inputs()
    print(jax.jit(kernel)(*tuple(_d.values())))

</pallas_src>

<mosaic_0001>
#map = affine_map<(d0, d1) -> (0, 0)>
#map1 = affine_map<(d0, d1) -> (0)>
module attributes {stable_mosaic.version = 14 : i64} {
  func.func @sc_emb_gather_t(%arg0: i32, %arg1: i32, %arg2: memref<64x1000012xf32, #tpu.memory_space<hbm>>, %arg3: memref<106496xi32, #tpu.memory_space<hbm>>, %arg4: memref<106496xi32, #tpu.memory_space<hbm>>, %arg5: memref<3328xi32, #tpu.memory_space<hbm>>, %arg6: memref<128x128xf32, #tpu.memory_space<hbm>>, %arg7: memref<1664x4096xf32, #tpu.memory_space<hbm>>, %arg8: memref<4112xi32, #tpu.memory_space<vmem>>, %arg9: memref<4112xi32, #tpu.memory_space<vmem>>, %arg10: memref<128xi32, #tpu.memory_space<vmem>>, %arg11: memref<2x8x4096xf32, #tpu.memory_space<vmem>>, %arg12: memref<8x4096xf32, #tpu.memory_space<vmem>>, %arg13: memref<128x128xf32, #tpu.memory_space<vmem>>, %arg14: memref<!tpu.dma_semaphore, #tpu.memory_space<semaphore_mem>>, %arg15: memref<!tpu.dma_semaphore, #tpu.memory_space<semaphore_mem>>) attributes {dimension_semantics = [#tpu.dimension_semantics<core_parallel>, #tpu.dimension_semantics<subcore_parallel>], iteration_bounds = array<i64: 2, 16>, scalar_prefetch = 0 : i64, scratch_operands = 8 : i64, tpu.core_type = #tpu.core_type<sc_vector_subcore>, window_params = [{transform_indices = #map}, {transform_indices = #map1}, {transform_indices = #map1}, {transform_indices = #map1}, {transform_indices = #map}, {transform_indices = #map}]} {
    %mul3A = arith.constant 2 : i32
    %mul3A_0 = arith.muli %arg1, %mul3A : i32
    %add3A = arith.addi %mul3A_0, %arg0 : i32
    %iota3A = tpu.iota {dimensions = array<i32: 0>} : vector<16xi32>
    "tpu.region"() ({
      %run_scoped3A = tpu.sem_alloc : memref<!tpu.dma_semaphore, #tpu.memory_space<semaphore_mem>>
      tpu.enqueue_dma source(%arg6 : memref<128x128xf32, #tpu.memory_space<hbm>>) target(%arg13 : memref<128x128xf32, #tpu.memory_space<vmem>>) target_semaphore(%run_scoped3A : memref<!tpu.dma_semaphore, #tpu.memory_space<semaphore_mem>>)
      tpu.wait_dma2 semaphore(%run_scoped3A : memref<!tpu.dma_semaphore, #tpu.memory_space<semaphore_mem>>) src(%arg6 : memref<128x128xf32, #tpu.memory_space<hbm>>) dst(%arg13 : memref<128x128xf32, #tpu.memory_space<vmem>>)
      tpu.yield
    }) : () -> ()
    %scan3A = arith.constant 0 : i32
    %scan3A_1 = arith.constant 0 : i32
    %scan3A_2 = arith.constant 7 : i32
    %scan3A_3 = arith.addi %scan3A_1, %scan3A_2 : i32
    %scan3A_4 = arith.constant 1 : i32
    scf.for %scan3A_6 = %scan3A_1 to %scan3A_3 step %scan3A_4  : i32 {
      %mul3A_7 = arith.constant 32 : i32
      %mul3A_8 = arith.muli %scan3A_6, %mul3A_7 : i32
      %add3A_9 = arith.addi %mul3A_8, %add3A : i32
      %lt3A = arith.constant 208 : i32
      %lt3A_10 = arith.cmpi slt, %add3A_9, %lt3A : i32
      %convert_element_type3A = arith.extui %lt3A_10 : i1 to i32
      %cond3A = arith.constant 0 : i32
      %cond3A_11 = arith.cmpi ne, %convert_element_type3A, %cond3A : i32
      scf.if %cond3A_11 {
        %jit3A = arith.constant 26 : i32
        %eq3A = arith.constant 0 : i32
        %eq3A_12 = arith.cmpi eq, %jit3A, %eq3A : i32
        %jit3A_13 = arith.constant 1 : i32
        %select_n3A = arith.select %eq3A_12, %jit3A_13, %jit3A : i32
        %rem3A = arith.remsi %add3A_9, %select_n3A : i32
        %ne3A = arith.constant 0 : i32
        %ne3A_14 = arith.cmpi ne, %rem3A, %ne3A : i32
        %lt3A_15 = arith.constant 0 : i32
        %lt3A_16 = arith.cmpi slt, %rem3A, %lt3A_15 : i32
        %lt3A_17 = arith.constant 0 : i32
        %lt3A_18 = arith.cmpi slt, %select_n3A, %lt3A_17 : i32
        %ne3A_19 = arith.xori %lt3A_16, %lt3A_18 : i1
        %and3A = arith.andi %ne3A_19, %ne3A_14 : i1
        %add3A_20 = arith.addi %rem3A, %select_n3A : i32
        %select_n3A_21 = arith.select %and3A, %add3A_20, %rem3A : i32
        %jit3A_22 = arith.constant 26 : i32
        %div3A = arith.divsi %add3A_9, %jit3A_22 : i32
        %sign3A = arith.constant 0 : i32
        %sign3A_23 = arith.cmpi sgt, %add3A_9, %sign3A : i32
        %sign3A_24 = arith.extui %sign3A_23 : i1 to i32
        %sign3A_25 = arith.constant 0 : i32
        %sign3A_26 = arith.cmpi slt, %add3A_9, %sign3A_25 : i32
        %sign3A_27 = arith.extui %sign3A_26 : i1 to i32
        %sign3A_28 = arith.subi %sign3A_24, %sign3A_27 : i32
        %sign3A_29 = arith.constant 0 : i32
        %sign3A_30 = arith.cmpi sgt, %jit3A_22, %sign3A_29 : i32
        %sign3A_31 = arith.extui %sign3A_30 : i1 to i32
        %sign3A_32 = arith.constant 0 : i32
        %sign3A_33 = arith.cmpi slt, %jit3A_22, %sign3A_32 : i32
        %sign3A_34 = arith.extui %sign3A_33 : i1 to i32
        %sign3A_35 = arith.subi %sign3A_31, %sign3A_34 : i32
        %ne3A_36 = arith.cmpi ne, %sign3A_28, %sign3A_35 : i32
        %rem3A_37 = arith.remsi %add3A_9, %jit3A_22 : i32
        %ne3A_38 = arith.constant 0 : i32
        %ne3A_39 = arith.cmpi ne, %rem3A_37, %ne3A_38 : i32
        %and3A_40 = arith.andi %ne3A_36, %ne3A_39 : i1
        %sub3A = arith.constant 1 : i32
        %sub3A_41 = arith.subi %div3A, %sub3A : i32
        %select_n3A_42 = arith.select %and3A_40, %sub3A_41, %div3A : i32
        %mul3A_43 = arith.constant 8 : i32
        %mul3A_44 = arith.muli %select_n3A_42, %mul3A_43 : i32
        %multiple_of3A = tpu.assume_multiple %mul3A_44, 8 : i32
        %mul3A_45 = arith.constant 4096 : i32
        %mul3A_46 = arith.muli %select_n3A_21, %mul3A_45 : i32
        %multiple_of3A_47 = tpu.assume_multiple %mul3A_46, 4096 : i32
        %mul3A_48 = arith.constant 38462 : i32
        %mul3A_49 = arith.muli %select_n3A_21, %mul3A_48 : i32
        %jit3A_50 = arith.constant 128 : i32
        %div3A_51 = arith.divsi %mul3A_49, %jit3A_50 : i32
        %sign3A_52 = arith.constant 0 : i32
        %sign3A_53 = arith.cmpi sgt, %mul3A_49, %sign3A_52 : i32
        %sign3A_54 = arith.extui %sign3A_53 : i1 to i32
        %sign3A_55 = arith.constant 0 : i32
        %sign3A_56 = arith.cmpi slt, %mul3A_49, %sign3A_55 : i32
        %sign3A_57 = arith.extui %sign3A_56 : i1 to i32
        %sign3A_58 = arith.subi %sign3A_54, %sign3A_57 : i32
        %sign3A_59 = arith.constant 0 : i32
        %sign3A_60 = arith.cmpi sgt, %jit3A_50, %sign3A_59 : i32
        %sign3A_61 = arith.extui %sign3A_60 : i1 to i32
        %sign3A_62 = arith.constant 0 : i32
        %sign3A_63 = arith.cmpi slt, %jit3A_50, %sign3A_62 : i32
        %sign3A_64 = arith.extui %sign3A_63 : i1 to i32
        %sign3A_65 = arith.subi %sign3A_61, %sign3A_64 : i32
        %ne3A_66 = arith.cmpi ne, %sign3A_58, %sign3A_65 : i32
        %rem3A_67 = arith.remsi %mul3A_49, %jit3A_50 : i32
        %ne3A_68 = arith.constant 0 : i32
        %ne3A_69 = arith.cmpi ne, %rem3A_67, %ne3A_68 : i32
        %and3A_70 = arith.andi %ne3A_66, %ne3A_69 : i1
        %sub3A_71 = arith.constant 1 : i32
        %sub3A_72 = arith.subi %div3A_51, %sub3A_71 : i32
        %select_n3A_73 = arith.select %and3A_70, %sub3A_72, %div3A_51 : i32
        %mul3A_74 = arith.constant 128 : i32
        %mul3A_75 = arith.muli %select_n3A_73, %mul3A_74 : i32
        %multiple_of3A_76 = tpu.assume_multiple %mul3A_75, 128 : i32
        %add3A_77 = arith.constant 0 : i32
        %add3A_78 = arith.addi %multiple_of3A_76, %add3A_77 : i32
        %min3A = arith.constant 995840 : i32
        %min3A_79 = arith.minsi %add3A_78, %min3A : i32
        %multiple_of3A_80 = tpu.assume_multiple %min3A_79, 128 : i32
        %dma_start3A = arith.constant 0 : i32
        %dma_start3A_81 = arith.constant 0 : i32
        %dma_start3A_82 = arith.constant 0 : i32
        %dma_start3A_83 = tpu.memref_slice %arg11[%dma_start3A, %dma_start3A_81, %dma_start3A_82] : memref<2x8x4096xf32, #tpu.memory_space<vmem>> -> memref<1x8x4096xf32, #tpu.memory_space<vmem>>
        %dma_start3A_84 = tpu.memref_squeeze %dma_start3A_83 : memref<1x8x4096xf32, #tpu.memory_space<vmem>> -> memref<8x4096xf32, #tpu.memory_space<vmem>>
        %dma_start3A_85 = tpu.memref_slice %arg2[%multiple_of3A, %multiple_of3A_80] : memref<64x1000012xf32, #tpu.memory_space<hbm>> -> memref<8x4096xf32, #tpu.memory_space<hbm>>
        %dma_start3A_86 = arith.constant 0 : i32
        %dma_start3A_87 = arith.constant 0 : i32
        %dma_start3A_88 = tpu.memref_slice %arg11[%dma_start3A, %dma_start3A_86, %dma_start3A_87] : memref<2x8x4096xf32, #tpu.memory_space<vmem>> -> memref<1x8x4096xf32, #tpu.memory_space<vmem>>
        %dma_start3A_89 = tpu.memref_squeeze %dma_start3A_88 : memref<1x8x4096xf32, #tpu.memory_space<vmem>> -> memref<8x4096xf32, #tpu.memory_space<vmem>>
        %dma_start3A_90 = tpu.memref_slice %arg2[%multiple_of3A, %multiple_of3A_80] : memref<64x1000012xf32, #tpu.memory_space<hbm>> -> memref<8x4096xf32, #tpu.memory_space<hbm>>
        tpu.enqueue_dma source(%dma_start3A_90 : memref<8x4096xf32, #tpu.memory_space<hbm>>) target(%dma_start3A_89 : memref<8x4096xf32, #tpu.memory_space<vmem>>) target_semaphore(%arg14 : memref<!tpu.dma_semaphore, #tpu.memory_space<semaphore_mem>>)
        %add3A_91 = arith.constant 4096 : i32
        %add3A_92 = arith.addi %multiple_of3A_76, %add3A_91 : i32
        %min3A_93 = arith.constant 995840 : i32
        %min3A_94 = arith.minsi %add3A_92, %min3A_93 : i32
        %multiple_of3A_95 = tpu.assume_multiple %min3A_94, 128 : i32
        %dma_start3A_96 = arith.constant 1 : i32
        %dma_start3A_97 = arith.constant 0 : i32
        %dma_start3A_98 = arith.constant 0 : i32
        %dma_start3A_99 = tpu.memref_slice %arg11[%dma_start3A_96, %dma_start3A_97, %dma_start3A_98] : memref<2x8x4096xf32, #tpu.memory_space<vmem>> -> memref<1x8x4096xf32, #tpu.memory_space<vmem>>
        %dma_start3A_100 = tpu.memref_squeeze %dma_start3A_99 : memref<1x8x4096xf32, #tpu.memory_space<vmem>> -> memref<8x4096xf32, #tpu.memory_space<vmem>>
        %dma_start3A_101 = tpu.memref_slice %arg2[%multiple_of3A, %multiple_of3A_95] : memref<64x1000012xf32, #tpu.memory_space<hbm>> -> memref<8x4096xf32, #tpu.memory_space<hbm>>
        %dma_start3A_102 = arith.constant 0 : i32
        %dma_start3A_103 = arith.constant 0 : i32
        %dma_start3A_104 = tpu.memref_slice %arg11[%dma_start3A_96, %dma_start3A_102, %dma_start3A_103] : memref<2x8x4096xf32, #tpu.memory_space<vmem>> -> memref<1x8x4096xf32, #tpu.memory_space<vmem>>
        %dma_start3A_105 = tpu.memref_squeeze %dma_start3A_104 : memref<1x8x4096xf32, #tpu.memory_space<vmem>> -> memref<8x4096xf32, #tpu.memory_space<vmem>>
        %dma_start3A_106 = tpu.memref_slice %arg2[%multiple_of3A, %multiple_of3A_95] : memref<64x1000012xf32, #tpu.memory_space<hbm>> -> memref<8x4096xf32, #tpu.memory_space<hbm>>
        tpu.enqueue_dma source(%dma_start3A_106 : memref<8x4096xf32, #tpu.memory_space<hbm>>) target(%dma_start3A_105 : memref<8x4096xf32, #tpu.memory_space<vmem>>) target_semaphore(%arg15 : memref<!tpu.dma_semaphore, #tpu.memory_space<semaphore_mem>>)
        "tpu.region"() ({
          %run_scoped3A = tpu.sem_alloc : memref<!tpu.dma_semaphore, #tpu.memory_space<semaphore_mem>>
          %dma_start3A_140 = arith.constant 0 : i32
          %dma_start3A_141 = tpu.memref_slice %arg8[%dma_start3A_140] : memref<4112xi32, #tpu.memory_space<vmem>> -> memref<4096xi32, #tpu.memory_space<vmem>>
          %dma_start3A_142 = tpu.memref_slice %arg3[%multiple_of3A_47] : memref<106496xi32, #tpu.memory_space<hbm>> -> memref<4096xi32, #tpu.memory_space<hbm>>
          %dma_start3A_143 = arith.constant 0 : i32
          %dma_start3A_144 = tpu.memref_slice %arg8[%dma_start3A_143] : memref<4112xi32, #tpu.memory_space<vmem>> -> memref<4096xi32, #tpu.memory_space<vmem>>
          %dma_start3A_145 = tpu.memref_slice %arg3[%multiple_of3A_47] : memref<106496xi32, #tpu.memory_space<hbm>> -> memref<4096xi32, #tpu.memory_space<hbm>>
          tpu.enqueue_dma source(%dma_start3A_145 : memref<4096xi32, #tpu.memory_space<hbm>>) target(%dma_start3A_144 : memref<4096xi32, #tpu.memory_space<vmem>>) target_semaphore(%run_scoped3A : memref<!tpu.dma_semaphore, #tpu.memory_space<semaphore_mem>>)
          %dma_wait3A = arith.constant 0 : i32
          %dma_wait3A_146 = tpu.memref_slice %arg8[%dma_wait3A] : memref<4112xi32, #tpu.memory_space<vmem>> -> memref<4096xi32, #tpu.memory_space<vmem>>
          %dma_wait3A_147 = tpu.memref_slice %arg3[%multiple_of3A_47] : memref<106496xi32, #tpu.memory_space<hbm>> -> memref<4096xi32, #tpu.memory_space<hbm>>
          %dma_wait3A_148 = arith.constant 0 : i32
          %dma_wait3A_149 = tpu.memref_slice %arg8[%dma_wait3A_148] : memref<4112xi32, #tpu.memory_space<vmem>> -> memref<4096xi32, #tpu.memory_space<vmem>>
          %dma_wait3A_150 = tpu.memref_slice %arg3[%multiple_of3A_47] : memref<106496xi32, #tpu.memory_space<hbm>> -> memref<4096xi32, #tpu.memory_space<hbm>>
          tpu.wait_dma2 semaphore(%run_scoped3A : memref<!tpu.dma_semaphore, #tpu.memory_space<semaphore_mem>>) src(%dma_wait3A_150 : memref<4096xi32, #tpu.memory_space<hbm>>) dst(%dma_wait3A_149 : memref<4096xi32, #tpu.memory_space<vmem>>)
          tpu.yield
        }) : () -> ()
        "tpu.region"() ({
          %run_scoped3A = tpu.sem_alloc : memref<!tpu.dma_semaphore, #tpu.memory_space<semaphore_mem>>
          %dma_start3A_140 = arith.constant 0 : i32
          %dma_start3A_141 = tpu.memref_slice %arg9[%dma_start3A_140] : memref<4112xi32, #tpu.memory_space<vmem>> -> memref<4096xi32, #tpu.memory_space<vmem>>
          %dma_start3A_142 = tpu.memref_slice %arg4[%multiple_of3A_47] : memref<106496xi32, #tpu.memory_space<hbm>> -> memref<4096xi32, #tpu.memory_space<hbm>>
          %dma_start3A_143 = arith.constant 0 : i32
          %dma_start3A_144 = tpu.memref_slice %arg9[%dma_start3A_143] : memref<4112xi32, #tpu.memory_space<vmem>> -> memref<4096xi32, #tpu.memory_space<vmem>>
          %dma_start3A_145 = tpu.memref_slice %arg4[%multiple_of3A_47] : memref<106496xi32, #tpu.memory_space<hbm>> -> memref<4096xi32, #tpu.memory_space<hbm>>
          tpu.enqueue_dma source(%dma_start3A_145 : memref<4096xi32, #tpu.memory_space<hbm>>) target(%dma_start3A_144 : memref<4096xi32, #tpu.memory_space<vmem>>) target_semaphore(%run_scoped3A : memref<!tpu.dma_semaphore, #tpu.memory_space<semaphore_mem>>)
          %dma_wait3A = arith.constant 0 : i32
          %dma_wait3A_146 = tpu.memref_slice %arg9[%dma_wait3A] : memref<4112xi32, #tpu.memory_space<vmem>> -> memref<4096xi32, #tpu.memory_space<vmem>>
          %dma_wait3A_147 = tpu.memref_slice %arg4[%multiple_of3A_47] : memref<106496xi32, #tpu.memory_space<hbm>> -> memref<4096xi32, #tpu.memory_space<hbm>>
          %dma_wait3A_148 = arith.constant 0 : i32
          %dma_wait3A_149 = tpu.memref_slice %arg9[%dma_wait3A_148] : memref<4112xi32, #tpu.memory_space<vmem>> -> memref<4096xi32, #tpu.memory_space<vmem>>
          %dma_wait3A_150 = tpu.memref_slice %arg4[%multiple_of3A_47] : memref<106496xi32, #tpu.memory_space<hbm>> -> memref<4096xi32, #tpu.memory_space<hbm>>
          tpu.wait_dma2 semaphore(%run_scoped3A : memref<!tpu.dma_semaphore, #tpu.memory_space<semaphore_mem>>) src(%dma_wait3A_150 : memref<4096xi32, #tpu.memory_space<hbm>>) dst(%dma_wait3A_149 : memref<4096xi32, #tpu.memory_space<vmem>>)
          tpu.yield
        }) : () -> ()
        %mul3A_107 = arith.constant 128 : i32
        %mul3A_108 = arith.muli %select_n3A_21, %mul3A_107 : i32
        %multiple_of3A_109 = tpu.assume_multiple %mul3A_108, 128 : i32
        "tpu.region"() ({
          %run_scoped3A = tpu.sem_alloc : memref<!tpu.dma_semaphore, #tpu.memory_space<semaphore_mem>>
          %dma_start3A_140 = tpu.memref_slice %arg5[%multiple_of3A_109] : memref<3328xi32, #tpu.memory_space<hbm>> -> memref<128xi32, #tpu.memory_space<hbm>>
          %dma_start3A_141 = tpu.memref_slice %arg5[%multiple_of3A_109] : memref<3328xi32, #tpu.memory_space<hbm>> -> memref<128xi32, #tpu.memory_space<hbm>>
          tpu.enqueue_dma source(%dma_start3A_141 : memref<128xi32, #tpu.memory_space<hbm>>) target(%arg10 : memref<128xi32, #tpu.memory_space<vmem>>) target_semaphore(%run_scoped3A : memref<!tpu.dma_semaphore, #tpu.memory_space<semaphore_mem>>)
          %dma_wait3A = tpu.memref_slice %arg5[%multiple_of3A_109] : memref<3328xi32, #tpu.memory_space<hbm>> -> memref<128xi32, #tpu.memory_space<hbm>>
          %dma_wait3A_142 = tpu.memref_slice %arg5[%multiple_of3A_109] : memref<3328xi32, #tpu.memory_space<hbm>> -> memref<128xi32, #tpu.memory_space<hbm>>
          tpu.wait_dma2 semaphore(%run_scoped3A : memref<!tpu.dma_semaphore, #tpu.memory_space<semaphore_mem>>) src(%dma_wait3A_142 : memref<128xi32, #tpu.memory_space<hbm>>) dst(%arg10 : memref<128xi32, #tpu.memory_space<vmem>>)
          tpu.yield
        }) : () -> ()
        %scan3A_110 = arith.constant 0 : i32
        %scan3A_111 = arith.constant 0 : i32
        %scan3A_112 = arith.constant 5 : i32
        %scan3A_113 = arith.addi %scan3A_111, %scan3A_112 : i32
        %scan3A_114 = arith.constant 1 : i32
        scf.for %scan3A_140 = %scan3A_111 to %scan3A_113 step %scan3A_114  : i32 {
          %mul3A_141 = arith.constant 2 : i32
          %mul3A_142 = arith.muli %mul3A_141, %scan3A_140 : i32
          %mul3A_143 = arith.constant 4096 : i32
          %mul3A_144 = arith.muli %mul3A_142, %mul3A_143 : i32
          %add3A_145 = arith.addi %multiple_of3A_76, %mul3A_144 : i32
          %min3A_146 = arith.constant 995840 : i32
          %min3A_147 = arith.minsi %add3A_145, %min3A_146 : i32
          %multiple_of3A_148 = tpu.assume_multiple %min3A_147, 128 : i32
          %dma_wait3A = arith.constant 0 : i32
          %dma_wait3A_149 = arith.constant 0 : i32
          %dma_wait3A_150 = arith.constant 0 : i32
          %dma_wait3A_151 = tpu.memref_slice %arg11[%dma_wait3A, %dma_wait3A_149, %dma_wait3A_150] : memref<2x8x4096xf32, #tpu.memory_space<vmem>> -> memref<1x8x4096xf32, #tpu.memory_space<vmem>>
          %dma_wait3A_152 = tpu.memref_squeeze %dma_wait3A_151 : memref<1x8x4096xf32, #tpu.memory_space<vmem>> -> memref<8x4096xf32, #tpu.memory_space<vmem>>
          %dma_wait3A_153 = tpu.memref_slice %arg2[%multiple_of3A, %multiple_of3A_148] : memref<64x1000012xf32, #tpu.memory_space<hbm>> -> memref<8x4096xf32, #tpu.memory_space<hbm>>
          %dma_wait3A_154 = arith.constant 0 : i32
          %dma_wait3A_155 = arith.constant 0 : i32
          %dma_wait3A_156 = tpu.memref_slice %arg11[%dma_wait3A, %dma_wait3A_154, %dma_wait3A_155] : memref<2x8x4096xf32, #tpu.memory_space<vmem>> -> memref<1x8x4096xf32, #tpu.memory_space<vmem>>
          %dma_wait3A_157 = tpu.memref_squeeze %dma_wait3A_156 : memref<1x8x4096xf32, #tpu.memory_space<vmem>> -> memref<8x4096xf32, #tpu.memory_space<vmem>>
          %dma_wait3A_158 = tpu.memref_slice %arg2[%multiple_of3A, %multiple_of3A_148] : memref<64x1000012xf32, #tpu.memory_space<hbm>> -> memref<8x4096xf32, #tpu.memory_space<hbm>>
          tpu.wait_dma2 semaphore(%arg14 : memref<!tpu.dma_semaphore, #tpu.memory_space<semaphore_mem>>) src(%dma_wait3A_158 : memref<8x4096xf32, #tpu.memory_space<hbm>>) dst(%dma_wait3A_157 : memref<8x4096xf32, #tpu.memory_space<vmem>>)
          %mul3A_159 = arith.constant 4096 : i32
          %mul3A_160 = arith.muli %mul3A_142, %mul3A_159 : i32
          %add3A_161 = arith.addi %multiple_of3A_76, %mul3A_160 : i32
          %min3A_162 = arith.constant 995840 : i32
          %min3A_163 = arith.minsi %add3A_161, %min3A_162 : i32
          %multiple_of3A_164 = tpu.assume_multiple %min3A_163, 128 : i32
          %get3A_165 = arith.index_cast %mul3A_142 : i32 to index
          %get3A_166 = tpu.vector_load %arg10[%get3A_165] {strides = array<i32>} : memref<128xi32, #tpu.memory_space<vmem>>, vector<16xi32>,
          %slice3A_167 = vector.extract_strided_slice %get3A_166 {offsets = [0], sizes = [1], strides = [1]} : vector<16xi32> to vector<1xi32>
          %squeeze3A_168 = vector.extract %slice3A_167[0] : i32 from vector<1xi32>
          %add3A_169 = arith.constant 64 : i32
          %add3A_170 = arith.addi %add3A_169, %mul3A_142 : i32
          %get3A_171 = arith.index_cast %add3A_170 : i32 to index
          %get3A_172 = tpu.vector_load %arg10[%get3A_171] {strides = array<i32>} : memref<128xi32, #tpu.memory_space<vmem>>, vector<16xi32>,
          %slice3A_173 = vector.extract_strided_slice %get3A_172 {offsets = [0], sizes = [1], strides = [1]} : vector<16xi32> to vector<1xi32>
          %squeeze3A_174 = vector.extract %slice3A_173[0] : i32 from vector<1xi32>
          %sub3A_175 = arith.subi %squeeze3A_174, %squeeze3A_168 : i32
          %add3A_176 = arith.constant 15 : i32
          %add3A_177 = arith.addi %sub3A_175, %add3A_176 : i32
          %shift_right_arithmetic3A_178 = arith.constant 4 : i32
          %shift_right_arithmetic3A_179 = arith.shrsi %add3A_177, %shift_right_arithmetic3A_178 : i32
          %while3A_180 = arith.constant 0 : i32
          %while3A_181 = arith.constant 0 : i32
          %while3A_182 = arith.constant 0 : i32
          %while3A_183 = arith.subi %shift_right_arithmetic3A_179, %while3A_182 : i32
          %while3A_184 = arith.addi %while3A_182, %while3A_183 : i32
          %while3A_185 = arith.constant 1 : i32
          %while3A_186 = arith.divsi %while3A_183, %while3A_185 : i32
          %while3A_187 = arith.muli %while3A_186, %while3A_185 : i32
          %while3A_188 = arith.addi %while3A_182, %while3A_187 : i32
          %while3A_189 = arith.constant 1 : i32
          scf.for %while3A_258 = %while3A_182 to %while3A_188 step %while3A_189  : i32 {
            %mul3A_259 = arith.constant 16 : i32
            %mul3A_260 = arith.muli %while3A_258, %mul3A_259 : i32
            %add3A_261 = arith.addi %squeeze3A_168, %mul3A_260 : i32
            %get3A_262 = arith.index_cast %add3A_261 : i32 to index
            %get3A_263 = tpu.vector_load %arg8[%get3A_262] {strides = array<i32>} : memref<4112xi32, #tpu.memory_space<vmem>>, vector<16xi32>,
            %and3A_264 = arith.constant 4095 : i32
            %and3A_265 = vector.broadcast %and3A_264 : i32 to vector<16xi32>
            %and3A_266 = arith.andi %get3A_263, %and3A_265 : vector<16xi32>
            %get3A_267 = arith.index_cast %add3A_261 : i32 to index
            %get3A_268 = tpu.vector_load %arg9[%get3A_267] {strides = array<i32>} : memref<4112xi32, #tpu.memory_space<vmem>>, vector<16xi32>,
            %add3A_269 = vector.broadcast %add3A_261 : i32 to vector<16xi32>
            %add3A_270 = arith.addi %add3A_269, %iota3A : vector<16xi32>
            %lt3A_271 = vector.broadcast %squeeze3A_174 : i32 to vector<16xi32>
            %lt3A_272 = arith.cmpi slt, %add3A_270, %lt3A_271 : vector<16xi32>
            %sub3A_273 = vector.broadcast %multiple_of3A_164 : i32 to vector<16xi32>
            %sub3A_274 = arith.subi %get3A_268, %sub3A_273 : vector<16xi32>
            %and3A_275 = arith.constant 4095 : i32
            %and3A_276 = vector.broadcast %and3A_275 : i32 to vector<16xi32>
            %and3A_277 = arith.andi %sub3A_274, %and3A_276 : vector<16xi32>
            %broadcast_in_dim3A = arith.constant 0 : i32
            %broadcast_in_dim3A_278 = vector.broadcast %broadcast_in_dim3A : i32 to vector<16xi32>
            %gather3A = arith.constant 0 : i32
            %gather3A_279 = arith.constant 0 : i32
            %gather3A_280 = tpu.memref_slice %arg11[%while3A_181, %gather3A, %gather3A_279] : memref<2x8x4096xf32, #tpu.memory_space<vmem>> -> memref<1x8x4096xf32, #tpu.memory_space<vmem>>
            %gather3A_281 = tpu.memref_squeeze %gather3A_280 : memref<1x8x4096xf32, #tpu.memory_space<vmem>> -> memref<8x4096xf32, #tpu.memory_space<vmem>>
            %gather3A_282 = tpu.vector_load_idx %gather3A_281[%broadcast_in_dim3A_278, %and3A_277] : memref<8x4096xf32, #tpu.memory_space<vmem>>[vector<16xi32>, vector<16xi32>], vector<16xf32>,
            tpu.vector_store_idx %arg12[%broadcast_in_dim3A_278, %and3A_266], %gather3A_282 masked %lt3A_272 : memref<8x4096xf32, #tpu.memory_space<vmem>>[vector<16xi32>, vector<16xi32>], vector<16xf32>, vector<16xi1>
            %broadcast_in_dim3A_283 = arith.constant 1 : i32
            %broadcast_in_dim3A_284 = vector.broadcast %broadcast_in_dim3A_283 : i32 to vector<16xi32>
            %gather3A_285 = arith.constant 0 : i32
            %gather3A_286 = arith.constant 0 : i32
            %gather3A_287 = tpu.memref_slice %arg11[%while3A_181, %gather3A_285, %gather3A_286] : memref<2x8x4096xf32, #tpu.memory_space<vmem>> -> memref<1x8x4096xf32, #tpu.memory_space<vmem>>
            %gather3A_288 = tpu.memref_squeeze %gather3A_287 : memref<1x8x4096xf32, #tpu.memory_space<vmem>> -> memref<8x4096xf32, #tpu.memory_space<vmem>>
            %gather3A_289 = tpu.vector_load_idx %gather3A_288[%broadcast_in_dim3A_284, %and3A_277] : memref<8x4096xf32, #tpu.memory_space<vmem>>[vector<16xi32>, vector<16xi32>], vector<16xf32>,
            tpu.vector_store_idx %arg12[%broadcast_in_dim3A_284, %and3A_266], %gather3A_289 masked %lt3A_272 : memref<8x4096xf32, #tpu.memory_space<vmem>>[vector<16xi32>, vector<16xi32>], vector<16xf32>, vector<16xi1>
            %broadcast_in_dim3A_290 = arith.constant 2 : i32
            %broadcast_in_dim3A_291 = vector.broadcast %broadcast_in_dim3A_290 : i32 to vector<16xi32>
            %gather3A_292 = arith.constant 0 : i32
            %gather3A_293 = arith.constant 0 : i32
            %gather3A_294 = tpu.memref_slice %arg11[%while3A_181, %gather3A_292, %gather3A_293] : memref<2x8x4096xf32, #tpu.memory_space<vmem>> -> memref<1x8x4096xf32, #tpu.memory_space<vmem>>
            %gather3A_295 = tpu.memref_squeeze %gather3A_294 : memref<1x8x4096xf32, #tpu.memory_space<vmem>> -> memref<8x4096xf32, #tpu.memory_space<vmem>>
            %gather3A_296 = tpu.vector_load_idx %gather3A_295[%broadcast_in_dim3A_291, %and3A_277] : memref<8x4096xf32, #tpu.memory_space<vmem>>[vector<16xi32>, vector<16xi32>], vector<16xf32>,
            tpu.vector_store_idx %arg12[%broadcast_in_dim3A_291, %and3A_266], %gather3A_296 masked %lt3A_272 : memref<8x4096xf32, #tpu.memory_space<vmem>>[vector<16xi32>, vector<16xi32>], vector<16xf32>, vector<16xi1>
            %broadcast_in_dim3A_297 = arith.constant 3 : i32
            %broadcast_in_dim3A_298 = vector.broadcast %broadcast_in_dim3A_297 : i32 to vector<16xi32>
            %gather3A_299 = arith.constant 0 : i32
            %gather3A_300 = arith.constant 0 : i32
            %gather3A_301 = tpu.memref_slice %arg11[%while3A_181, %gather3A_299, %gather3A_300] : memref<2x8x4096xf32, #tpu.memory_space<vmem>> -> memref<1x8x4096xf32, #tpu.memory_space<vmem>>
            %gather3A_302 = tpu.memref_squeeze %gather3A_301 : memref<1x8x4096xf32, #tpu.memory_space<vmem>> -> memref<8x4096xf32, #tpu.memory_space<vmem>>
            %gather3A_303 = tpu.vector_load_idx %gather3A_302[%broadcast_in_dim3A_298, %and3A_277] : memref<8x4096xf32, #tpu.memory_space<vmem>>[vector<16xi32>, vector<16xi32>], vector<16xf32>,
            tpu.vector_store_idx %arg12[%broadcast_in_dim3A_298, %and3A_266], %gather3A_303 masked %lt3A_272 : memref<8x4096xf32, #tpu.memory_space<vmem>>[vector<16xi32>, vector<16xi32>], vector<16xf32>, vector<16xi1>
            %broadcast_in_dim3A_304 = arith.constant 4 : i32
            %broadcast_in_dim3A_305 = vector.broadcast %broadcast_in_dim3A_304 : i32 to vector<16xi32>
            %gather3A_306 = arith.constant 0 : i32
            %gather3A_307 = arith.constant 0 : i32
            %gather3A_308 = tpu.memref_slice %arg11[%while3A_181, %gather3A_306, %gather3A_307] : memref<2x8x4096xf32, #tpu.memory_space<vmem>> -> memref<1x8x4096xf32, #tpu.memory_space<vmem>>
            %gather3A_309 = tpu.memref_squeeze %gather3A_308 : memref<1x8x4096xf32, #tpu.memory_space<vmem>> -> memref<8x4096xf32, #tpu.memory_space<vmem>>
            %gather3A_310 = tpu.vector_load_idx %gather3A_309[%broadcast_in_dim3A_305, %and3A_277] : memref<8x4096xf32, #tpu.memory_space<vmem>>[vector<16xi32>, vector<16xi32>], vector<16xf32>,
            tpu.vector_store_idx %arg12[%broadcast_in_dim3A_305, %and3A_266], %gather3A_310 masked %lt3A_272 : memref<8x4096xf32, #tpu.memory_space<vmem>>[vector<16xi32>, vector<16xi32>], vector<16xf32>, vector<16xi1>
            %broadcast_in_dim3A_311 = arith.constant 5 : i32
            %broadcast_in_dim3A_312 = vector.broadcast %broadcast_in_dim3A_311 : i32 to vector<16xi32>
            %gather3A_313 = arith.constant 0 : i32
            %gather3A_314 = arith.constant 0 : i32
            %gather3A_315 = tpu.memref_slice %arg11[%while3A_181, %gather3A_313, %gather3A_314] : memref<2x8x4096xf32, #tpu.memory_space<vmem>> -> memref<1x8x4096xf32, #tpu.memory_space<vmem>>
            %gather3A_316 = tpu.memref_squeeze %gather3A_315 : memref<1x8x4096xf32, #tpu.memory_space<vmem>> -> memref<8x4096xf32, #tpu.memory_space<vmem>>
            %gather3A_317 = tpu.vector_load_idx %gather3A_316[%broadcast_in_dim3A_312, %and3A_277] : memref<8x4096xf32, #tpu.memory_space<vmem>>[vector<16xi32>, vector<16xi32>], vector<16xf32>,
            tpu.vector_store_idx %arg12[%broadcast_in_dim3A_312, %and3A_266], %gather3A_317 masked %lt3A_272 : memref<8x4096xf32, #tpu.memory_space<vmem>>[vector<16xi32>, vector<16xi32>], vector<16xf32>, vector<16xi1>
            %broadcast_in_dim3A_318 = arith.constant 6 : i32
            %broadcast_in_dim3A_319 = vector.broadcast %broadcast_in_dim3A_318 : i32 to vector<16xi32>
            %gather3A_320 = arith.constant 0 : i32
            %gather3A_321 = arith.constant 0 : i32
            %gather3A_322 = tpu.memref_slice %arg11[%while3A_181, %gather3A_320, %gather3A_321] : memref<2x8x4096xf32, #tpu.memory_space<vmem>> -> memref<1x8x4096xf32, #tpu.memory_space<vmem>>
            %gather3A_323 = tpu.memref_squeeze %gather3A_322 : memref<1x8x4096xf32, #tpu.memory_space<vmem>> -> memref<8x4096xf32, #tpu.memory_space<vmem>>
            %gather3A_324 = tpu.vector_load_idx %gather3A_323[%broadcast_in_dim3A_319, %and3A_277] : memref<8x4096xf32, #tpu.memory_space<vmem>>[vector<16xi32>, vector<16xi32>], vector<16xf32>,
            tpu.vector_store_idx %arg12[%broadcast_in_dim3A_319, %and3A_266], %gather3A_324 masked %lt3A_272 : memref<8x4096xf32, #tpu.memory_space<vmem>>[vector<16xi32>, vector<16xi32>], vector<16xf32>, vector<16xi1>
            %broadcast_in_dim3A_325 = arith.constant 7 : i32
            %broadcast_in_dim3A_326 = vector.broadcast %broadcast_in_dim3A_325 : i32 to vector<16xi32>
            %gather3A_327 = arith.constant 0 : i32
            %gather3A_328 = arith.constant 0 : i32
            %gather3A_329 = tpu.memref_slice %arg11[%while3A_181, %gather3A_327, %gather3A_328] : memref<2x8x4096xf32, #tpu.memory_space<vmem>> -> memref<1x8x4096xf32, #tpu.memory_space<vmem>>
            %gather3A_330 = tpu.memref_squeeze %gather3A_329 : memref<1x8x4096xf32, #tpu.memory_space<vmem>> -> memref<8x4096xf32, #tpu.memory_space<vmem>>
            %gather3A_331 = tpu.vector_load_idx %gather3A_330[%broadcast_in_dim3A_326, %and3A_277] : memref<8x4096xf32, #tpu.memory_space<vmem>>[vector<16xi32>, vector<16xi32>], vector<16xf32>,
            tpu.vector_store_idx %arg12[%broadcast_in_dim3A_326, %and3A_266], %gather3A_331 masked %lt3A_272 : memref<8x4096xf32, #tpu.memory_space<vmem>>[vector<16xi32>, vector<16xi32>], vector<16xf32>, vector<16xi1>
          }
          %while3A_190 = arith.constant 1 : i32
          scf.for %while3A_258 = %while3A_188 to %while3A_184 step %while3A_190  : i32 {
            %mul3A_259 = arith.constant 16 : i32
            %mul3A_260 = arith.muli %while3A_258, %mul3A_259 : i32
            %add3A_261 = arith.addi %squeeze3A_168, %mul3A_260 : i32
            %get3A_262 = arith.index_cast %add3A_261 : i32 to index
            %get3A_263 = tpu.vector_load %arg8[%get3A_262] {strides = array<i32>} : memref<4112xi32, #tpu.memory_space<vmem>>, vector<16xi32>,
            %and3A_264 = arith.constant 4095 : i32
            %and3A_265 = vector.broadcast %and3A_264 : i32 to vector<16xi32>
            %and3A_266 = arith.andi %get3A_263, %and3A_265 : vector<16xi32>
            %get3A_267 = arith.index_cast %add3A_261 : i32 to index
            %get3A_268 = tpu.vector_load %arg9[%get3A_267] {strides = array<i32>} : memref<4112xi32, #tpu.memory_space<vmem>>, vector<16xi32>,
            %add3A_269 = vector.broadcast %add3A_261 : i32 to vector<16xi32>
            %add3A_270 = arith.addi %add3A_269, %iota3A : vector<16xi32>
            %lt3A_271 = vector.broadcast %squeeze3A_174 : i32 to vector<16xi32>
            %lt3A_272 = arith.cmpi slt, %add3A_270, %lt3A_271 : vector<16xi32>
            %sub3A_273 = vector.broadcast %multiple_of3A_164 : i32 to vector<16xi32>
            %sub3A_274 = arith.subi %get3A_268, %sub3A_273 : vector<16xi32>
            %and3A_275 = arith.constant 4095 : i32
            %and3A_276 = vector.broadcast %and3A_275 : i32 to vector<16xi32>
            %and3A_277 = arith.andi %sub3A_274, %and3A_276 : vector<16xi32>
            %broadcast_in_dim3A = arith.constant 0 : i32
            %broadcast_in_dim3A_278 = vector.broadcast %broadcast_in_dim3A : i32 to vector<16xi32>
            %gather3A = arith.constant 0 : i32
            %gather3A_279 = arith.constant 0 : i32
            %gather3A_280 = tpu.memref_slice %arg11[%while3A_181, %gather3A, %gather3A_279] : memref<2x8x4096xf32, #tpu.memory_space<vmem>> -> memref<1x8x4096xf32, #tpu.memory_space<vmem>>
            %gather3A_281 = tpu.memref_squeeze %gather3A_280 : memref<1x8x4096xf32, #tpu.memory_space<vmem>> -> memref<8x4096xf32, #tpu.memory_space<vmem>>
            %gather3A_282 = tpu.vector_load_idx %gather3A_281[%broadcast_in_dim3A_278, %and3A_277] : memref<8x4096xf32, #tpu.memory_space<vmem>>[vector<16xi32>, vector<16xi32>], vector<16xf32>,
            tpu.vector_store_idx %arg12[%broadcast_in_dim3A_278, %and3A_266], %gather3A_282 masked %lt3A_272 : memref<8x4096xf32, #tpu.memory_space<vmem>>[vector<16xi32>, vector<16xi32>], vector<16xf32>, vector<16xi1>
            %broadcast_in_dim3A_283 = arith.constant 1 : i32
            %broadcast_in_dim3A_284 = vector.broadcast %broadcast_in_dim3A_283 : i32 to vector<16xi32>
            %gather3A_285 = arith.constant 0 : i32
            %gather3A_286 = arith.constant 0 : i32
            %gather3A_287 = tpu.memref_slice %arg11[%while3A_181, %gather3A_285, %gather3A_286] : memref<2x8x4096xf32, #tpu.memory_space<vmem>> -> memref<1x8x4096xf32, #tpu.memory_space<vmem>>
            %gather3A_288 = tpu.memref_squeeze %gather3A_287 : memref<1x8x4096xf32, #tpu.memory_space<vmem>> -> memref<8x4096xf32, #tpu.memory_space<vmem>>
            %gather3A_289 = tpu.vector_load_idx %gather3A_288[%broadcast_in_dim3A_284, %and3A_277] : memref<8x4096xf32, #tpu.memory_space<vmem>>[vector<16xi32>, vector<16xi32>], vector<16xf32>,
            tpu.vector_store_idx %arg12[%broadcast_in_dim3A_284, %and3A_266], %gather3A_289 masked %lt3A_272 : memref<8x4096xf32, #tpu.memory_space<vmem>>[vector<16xi32>, vector<16xi32>], vector<16xf32>, vector<16xi1>
            %broadcast_in_dim3A_290 = arith.constant 2 : i32
            %broadcast_in_dim3A_291 = vector.broadcast %broadcast_in_dim3A_290 : i32 to vector<16xi32>
            %gather3A_292 = arith.constant 0 : i32
            %gather3A_293 = arith.constant 0 : i32
            %gather3A_294 = tpu.memref_slice %arg11[%while3A_181, %gather3A_292, %gather3A_293] : memref<2x8x4096xf32, #tpu.memory_space<vmem>> -> memref<1x8x4096xf32, #tpu.memory_space<vmem>>
            %gather3A_295 = tpu.memref_squeeze %gather3A_294 : memref<1x8x4096xf32, #tpu.memory_space<vmem>> -> memref<8x4096xf32, #tpu.memory_space<vmem>>
            %gather3A_296 = tpu.vector_load_idx %gather3A_295[%broadcast_in_dim3A_291, %and3A_277] : memref<8x4096xf32, #tpu.memory_space<vmem>>[vector<16xi32>, vector<16xi32>], vector<16xf32>,
            tpu.vector_store_idx %arg12[%broadcast_in_dim3A_291, %and3A_266], %gather3A_296 masked %lt3A_272 : memref<8x4096xf32, #tpu.memory_space<vmem>>[vector<16xi32>, vector<16xi32>], vector<16xf32>, vector<16xi1>
            %broadcast_in_dim3A_297 = arith.constant 3 : i32
            %broadcast_in_dim3A_298 = vector.broadcast %broadcast_in_dim3A_297 : i32 to vector<16xi32>
            %gather3A_299 = arith.constant 0 : i32
            %gather3A_300 = arith.constant 0 : i32
            %gather3A_301 = tpu.memref_slice %arg11[%while3A_181, %gather3A_299, %gather3A_300] : memref<2x8x4096xf32, #tpu.memory_space<vmem>> -> memref<1x8x4096xf32, #tpu.memory_space<vmem>>
            %gather3A_302 = tpu.memref_squeeze %gather3A_301 : memref<1x8x4096xf32, #tpu.memory_space<vmem>> -> memref<8x4096xf32, #tpu.memory_space<vmem>>
            %gather3A_303 = tpu.vector_load_idx %gather3A_302[%broadcast_in_dim3A_298, %and3A_277] : memref<8x4096xf32, #tpu.memory_space<vmem>>[vector<16xi32>, vector<16xi32>], vector<16xf32>,
            tpu.vector_store_idx %arg12[%broadcast_in_dim3A_298, %and3A_266], %gather3A_303 masked %lt3A_272 : memref<8x4096xf32, #tpu.memory_space<vmem>>[vector<16xi32>, vector<16xi32>], vector<16xf32>, vector<16xi1>
            %broadcast_in_dim3A_304 = arith.constant 4 : i32
            %broadcast_in_dim3A_305 = vector.broadcast %broadcast_in_dim3A_304 : i32 to vector<16xi32>
            %gather3A_306 = arith.constant 0 : i32
            %gather3A_307 = arith.constant 0 : i32
            %gather3A_308 = tpu.memref_slice %arg11[%while3A_181, %gather3A_306, %gather3A_307] : memref<2x8x4096xf32, #tpu.memory_space<vmem>> -> memref<1x8x4096xf32, #tpu.memory_space<vmem>>
            %gather3A_309 = tpu.memref_squeeze %gather3A_308 : memref<1x8x4096xf32, #tpu.memory_space<vmem>> -> memref<8x4096xf32, #tpu.memory_space<vmem>>
            %gather3A_310 = tpu.vector_load_idx %gather3A_309[%broadcast_in_dim3A_305, %and3A_277] : memref<8x4096xf32, #tpu.memory_space<vmem>>[vector<16xi32>, vector<16xi32>], vector<16xf32>,
            tpu.vector_store_idx %arg12[%broadcast_in_dim3A_305, %and3A_266], %gather3A_310 masked %lt3A_272 : memref<8x4096xf32, #tpu.memory_space<vmem>>[vector<16xi32>, vector<16xi32>], vector<16xf32>, vector<16xi1>
            %broadcast_in_dim3A_311 = arith.constant 5 : i32
            %broadcast_in_dim3A_312 = vector.broadcast %broadcast_in_dim3A_311 : i32 to vector<16xi32>
            %gather3A_313 = arith.constant 0 : i32
            %gather3A_314 = arith.constant 0 : i32
            %gather3A_315 = tpu.memref_slice %arg11[%while3A_181, %gather3A_313, %gather3A_314] : memref<2x8x4096xf32, #tpu.memory_space<vmem>> -> memref<1x8x4096xf32, #tpu.memory_space<vmem>>
            %gather3A_316 = tpu.memref_squeeze %gather3A_315 : memref<1x8x4096xf32, #tpu.memory_space<vmem>> -> memref<8x4096xf32, #tpu.memory_space<vmem>>
            %gather3A_317 = tpu.vector_load_idx %gather3A_316[%broadcast_in_dim3A_312, %and3A_277] : memref<8x4096xf32, #tpu.memory_space<vmem>>[vector<16xi32>, vector<16xi32>], vector<16xf32>,
            tpu.vector_store_idx %arg12[%broadcast_in_dim3A_312, %and3A_266], %gather3A_317 masked %lt3A_272 : memref<8x4096xf32, #tpu.memory_space<vmem>>[vector<16xi32>, vector<16xi32>], vector<16xf32>, vector<16xi1>
            %broadcast_in_dim3A_318 = arith.constant 6 : i32
            %broadcast_in_dim3A_319 = vector.broadcast %broadcast_in_dim3A_318 : i32 to vector<16xi32>
            %gather3A_320 = arith.constant 0 : i32
            %gather3A_321 = arith.constant 0 : i32
            %gather3A_322 = tpu.memref_slice %arg11[%while3A_181, %gather3A_320, %gather3A_321] : memref<2x8x4096xf32, #tpu.memory_space<vmem>> -> memref<1x8x4096xf32, #tpu.memory_space<vmem>>
            %gather3A_323 = tpu.memref_squeeze %gather3A_322 : memref<1x8x4096xf32, #tpu.memory_space<vmem>> -> memref<8x4096xf32, #tpu.memory_space<vmem>>
            %gather3A_324 = tpu.vector_load_idx %gather3A_323[%broadcast_in_dim3A_319, %and3A_277] : memref<8x4096xf32, #tpu.memory_space<vmem>>[vector<16xi32>, vector<16xi32>], vector<16xf32>,
            tpu.vector_store_idx %arg12[%broadcast_in_dim3A_319, %and3A_266], %gather3A_324 masked %lt3A_272 : memref<8x4096xf32, #tpu.memory_space<vmem>>[vector<16xi32>, vector<16xi32>], vector<16xf32>, vector<16xi1>
            %broadcast_in_dim3A_325 = arith.constant 7 : i32
            %broadcast_in_dim3A_326 = vector.broadcast %broadcast_in_dim3A_325 : i32 to vector<16xi32>
            %gather3A_327 = arith.constant 0 : i32
            %gather3A_328 = arith.constant 0 : i32
            %gather3A_329 = tpu.memref_slice %arg11[%while3A_181, %gather3A_327, %gather3A_328] : memref<2x8x4096xf32, #tpu.memory_space<vmem>> -> memref<1x8x4096xf32, #tpu.memory_space<vmem>>
            %gather3A_330 = tpu.memref_squeeze %gather3A_329 : memref<1x8x4096xf32, #tpu.memory_space<vmem>> -> memref<8x4096xf32, #tpu.memory_space<vmem>>
            %gather3A_331 = tpu.vector_load_idx %gather3A_330[%broadcast_in_dim3A_326, %and3A_277] : memref<8x4096xf32, #tpu.memory_space<vmem>>[vector<16xi32>, vector<16xi32>], vector<16xf32>,
            tpu.vector_store_idx %arg12[%broadcast_in_dim3A_326, %and3A_266], %gather3A_331 masked %lt3A_272 : memref<8x4096xf32, #tpu.memory_space<vmem>>[vector<16xi32>, vector<16xi32>], vector<16xf32>, vector<16xi1>
          }
          %add3A_191 = arith.constant 2 : i32
          %add3A_192 = arith.addi %mul3A_142, %add3A_191 : i32
          %lt3A_193 = arith.constant 10 : i32
          %lt3A_194 = arith.cmpi slt, %add3A_192, %lt3A_193 : i32
          %convert_element_type3A_195 = arith.extui %lt3A_194 : i1 to i32
          %cond3A_196 = arith.constant 0 : i32
          %cond3A_197 = arith.cmpi ne, %convert_element_type3A_195, %cond3A_196 : i32
          scf.if %cond3A_197 {
            %add3A_258 = arith.constant 2 : i32
            %add3A_259 = arith.addi %mul3A_142, %add3A_258 : i32
            %mul3A_260 = arith.constant 4096 : i32
            %mul3A_261 = arith.muli %add3A_259, %mul3A_260 : i32
            %add3A_262 = arith.addi %multiple_of3A_76, %mul3A_261 : i32
            %min3A_263 = arith.constant 995840 : i32
            %min3A_264 = arith.minsi %add3A_262, %min3A_263 : i32
            %multiple_of3A_265 = tpu.assume_multiple %min3A_264, 128 : i32
            %dma_start3A_266 = arith.constant 0 : i32
            %dma_start3A_267 = arith.constant 0 : i32
            %dma_start3A_268 = arith.constant 0 : i32
            %dma_start3A_269 = tpu.memref_slice %arg11[%dma_start3A_266, %dma_start3A_267, %dma_start3A_268] : memref<2x8x4096xf32, #tpu.memory_space<vmem>> -> memref<1x8x4096xf32, #tpu.memory_space<vmem>>
            %dma_start3A_270 = tpu.memref_squeeze %dma_start3A_269 : memref<1x8x4096xf32, #tpu.memory_space<vmem>> -> memref<8x4096xf32, #tpu.memory_space<vmem>>
            %dma_start3A_271 = tpu.memref_slice %arg2[%multiple_of3A, %multiple_of3A_265] : memref<64x1000012xf32, #tpu.memory_space<hbm>> -> memref<8x4096xf32, #tpu.memory_space<hbm>>
            %dma_start3A_272 = arith.constant 0 : i32
            %dma_start3A_273 = arith.constant 0 : i32
            %dma_start3A_274 = tpu.memref_slice %arg11[%dma_start3A_266, %dma_start3A_272, %dma_start3A_273] : memref<2x8x4096xf32, #tpu.memory_space<vmem>> -> memref<1x8x4096xf32, #tpu.memory_space<vmem>>
            %dma_start3A_275 = tpu.memref_squeeze %dma_start3A_274 : memref<1x8x4096xf32, #tpu.memory_space<vmem>> -> memref<8x4096xf32, #tpu.memory_space<vmem>>
            %dma_start3A_276 = tpu.memref_slice %arg2[%multiple_of3A, %multiple_of3A_265] : memref<64x1000012xf32, #tpu.memory_space<hbm>> -> memref<8x4096xf32, #tpu.memory_space<hbm>>
            tpu.enqueue_dma source(%dma_start3A_276 : memref<8x4096xf32, #tpu.memory_space<hbm>>) target(%dma_start3A_275 : memref<8x4096xf32, #tpu.memory_space<vmem>>) target_semaphore(%arg14 : memref<!tpu.dma_semaphore, #tpu.memory_space<semaphore_mem>>)
          } else {
          }
          %add3A_198 = arith.constant 1 : i32
          %add3A_199 = arith.addi %mul3A_142, %add3A_198 : i32
          %mul3A_200 = arith.constant 4096 : i32
          %mul3A_201 = arith.muli %add3A_199, %mul3A_200 : i32
          %add3A_202 = arith.addi %multiple_of3A_76, %mul3A_201 : i32
          %min3A_203 = arith.constant 995840 : i32
          %min3A_204 = arith.minsi %add3A_202, %min3A_203 : i32
          %multiple_of3A_205 = tpu.assume_multiple %min3A_204, 128 : i32
          %dma_wait3A_206 = arith.constant 1 : i32
          %dma_wait3A_207 = arith.constant 0 : i32
          %dma_wait3A_208 = arith.constant 0 : i32
          %dma_wait3A_209 = tpu.memref_slice %arg11[%dma_wait3A_206, %dma_wait3A_207, %dma_wait3A_208] : memref<2x8x4096xf32, #tpu.memory_space<vmem>> -> memref<1x8x4096xf32, #tpu.memory_space<vmem>>
          %dma_wait3A_210 = tpu.memref_squeeze %dma_wait3A_209 : memref<1x8x4096xf32, #tpu.memory_space<vmem>> -> memref<8x4096xf32, #tpu.memory_space<vmem>>
          %dma_wait3A_211 = tpu.memref_slice %arg2[%multiple_of3A, %multiple_of3A_205] : memref<64x1000012xf32, #tpu.memory_space<hbm>> -> memref<8x4096xf32, #tpu.memory_space<hbm>>
          %dma_wait3A_212 = arith.constant 0 : i32
          %dma_wait3A_213 = arith.constant 0 : i32
          %dma_wait3A_214 = tpu.memref_slice %arg11[%dma_wait3A_206, %dma_wait3A_212, %dma_wait3A_213] : memref<2x8x4096xf32, #tpu.memory_space<vmem>> -> memref<1x8x4096xf32, #tpu.memory_space<vmem>>
          %dma_wait3A_215 = tpu.memref_squeeze %dma_wait3A_214 : memref<1x8x4096xf32, #tpu.memory_space<vmem>> -> memref<8x4096xf32, #tpu.memory_space<vmem>>
          %dma_wait3A_216 = tpu.memref_slice %arg2[%multiple_of3A, %multiple_of3A_205] : memref<64x1000012xf32, #tpu.memory_space<hbm>> -> memref<8x4096xf32, #tpu.memory_space<hbm>>
          tpu.wait_dma2 semaphore(%arg15 : memref<!tpu.dma_semaphore, #tpu.memory_space<semaphore_mem>>) src(%dma_wait3A_216 : memref<8x4096xf32, #tpu.memory_space<hbm>>) dst(%dma_wait3A_215 : memref<8x4096xf32, #tpu.memory_space<vmem>>)
          %add3A_217 = arith.constant 1 : i32
          %add3A_218 = arith.addi %mul3A_142, %add3A_217 : i32
          %mul3A_219 = arith.constant 4096 : i32
          %mul3A_220 = arith.muli %add3A_218, %mul3A_219 : i32
          %add3A_221 = arith.addi %multiple_of3A_76, %mul3A_220 : i32
          %min3A_222 = arith.constant 995840 : i32
          %min3A_223 = arith.minsi %add3A_221, %min3A_222 : i32
          %multiple_of3A_224 = tpu.assume_multiple %min3A_223, 128 : i32
          %get3A_225 = arith.index_cast %add3A_218 : i32 to index
          %get3A_226 = tpu.vector_load %arg10[%get3A_225] {strides = array<i32>} : memref<128xi32, #tpu.memory_space<vmem>>, vector<16xi32>,
          %slice3A_227 = vector.extract_strided_slice %get3A_226 {offsets = [0], sizes = [1], strides = [1]} : vector<16xi32> to vector<1xi32>
          %squeeze3A_228 = vector.extract %slice3A_227[0] : i32 from vector<1xi32>
          %add3A_229 = arith.constant 64 : i32
          %add3A_230 = arith.addi %add3A_229, %add3A_218 : i32
          %get3A_231 = arith.index_cast %add3A_230 : i32 to index
          %get3A_232 = tpu.vector_load %arg10[%get3A_231] {strides = array<i32>} : memref<128xi32, #tpu.memory_space<vmem>>, vector<16xi32>,
          %slice3A_233 = vector.extract_strided_slice %get3A_232 {offsets = [0], sizes = [1], strides = [1]} : vector<16xi32> to vector<1xi32>
          %squeeze3A_234 = vector.extract %slice3A_233[0] : i32 from vector<1xi32>
          %sub3A_235 = arith.subi %squeeze3A_234, %squeeze3A_228 : i32
          %add3A_236 = arith.constant 15 : i32
          %add3A_237 = arith.addi %sub3A_235, %add3A_236 : i32
          %shift_right_arithmetic3A_238 = arith.constant 4 : i32
          %shift_right_arithmetic3A_239 = arith.shrsi %add3A_237, %shift_right_arithmetic3A_238 : i32
          %while3A_240 = arith.constant 0 : i32
          %while3A_241 = arith.constant 1 : i32
          %while3A_242 = arith.constant 0 : i32
          %while3A_243 = arith.subi %shift_right_arithmetic3A_239, %while3A_242 : i32
          %while3A_244 = arith.addi %while3A_242, %while3A_243 : i32
          %while3A_245 = arith.constant 1 : i32
          %while3A_246 = arith.divsi %while3A_243, %while3A_245 : i32
          %while3A_247 = arith.muli %while3A_246, %while3A_245 : i32
          %while3A_248 = arith.addi %while3A_242, %while3A_247 : i32
          %while3A_249 = arith.constant 1 : i32
          scf.for %while3A_258 = %while3A_242 to %while3A_248 step %while3A_249  : i32 {
            %mul3A_259 = arith.constant 16 : i32
            %mul3A_260 = arith.muli %while3A_258, %mul3A_259 : i32
            %add3A_261 = arith.addi %squeeze3A_228, %mul3A_260 : i32
            %get3A_262 = arith.index_cast %add3A_261 : i32 to index
            %get3A_263 = tpu.vector_load %arg8[%get3A_262] {strides = array<i32>} : memref<4112xi32, #tpu.memory_space<vmem>>, vector<16xi32>,
            %and3A_264 = arith.constant 4095 : i32
            %and3A_265 = vector.broadcast %and3A_264 : i32 to vector<16xi32>
            %and3A_266 = arith.andi %get3A_263, %and3A_265 : vector<16xi32>
            %get3A_267 = arith.index_cast %add3A_261 : i32 to index
            %get3A_268 = tpu.vector_load %arg9[%get3A_267] {strides = array<i32>} : memref<4112xi32, #tpu.memory_space<vmem>>, vector<16xi32>,
            %add3A_269 = vector.broadcast %add3A_261 : i32 to vector<16xi32>
            %add3A_270 = arith.addi %add3A_269, %iota3A : vector<16xi32>
            %lt3A_271 = vector.broadcast %squeeze3A_234 : i32 to vector<16xi32>
            %lt3A_272 = arith.cmpi slt, %add3A_270, %lt3A_271 : vector<16xi32>
            %sub3A_273 = vector.broadcast %multiple_of3A_224 : i32 to vector<16xi32>
            %sub3A_274 = arith.subi %get3A_268, %sub3A_273 : vector<16xi32>
            %and3A_275 = arith.constant 4095 : i32
            %and3A_276 = vector.broadcast %and3A_275 : i32 to vector<16xi32>
            %and3A_277 = arith.andi %sub3A_274, %and3A_276 : vector<16xi32>
            %broadcast_in_dim3A = arith.constant 0 : i32
            %broadcast_in_dim3A_278 = vector.broadcast %broadcast_in_dim3A : i32 to vector<16xi32>
            %gather3A = arith.constant 0 : i32
            %gather3A_279 = arith.constant 0 : i32
            %gather3A_280 = tpu.memref_slice %arg11[%while3A_241, %gather3A, %gather3A_279] : memref<2x8x4096xf32, #tpu.memory_space<vmem>> -> memref<1x8x4096xf32, #tpu.memory_space<vmem>>
            %gather3A_281 = tpu.memref_squeeze %gather3A_280 : memref<1x8x4096xf32, #tpu.memory_space<vmem>> -> memref<8x4096xf32, #tpu.memory_space<vmem>>
            %gather3A_282 = tpu.vector_load_idx %gather3A_281[%broadcast_in_dim3A_278, %and3A_277] : memref<8x4096xf32, #tpu.memory_space<vmem>>[vector<16xi32>, vector<16xi32>], vector<16xf32>,
            tpu.vector_store_idx %arg12[%broadcast_in_dim3A_278, %and3A_266], %gather3A_282 masked %lt3A_272 : memref<8x4096xf32, #tpu.memory_space<vmem>>[vector<16xi32>, vector<16xi32>], vector<16xf32>, vector<16xi1>
            %broadcast_in_dim3A_283 = arith.constant 1 : i32
            %broadcast_in_dim3A_284 = vector.broadcast %broadcast_in_dim3A_283 : i32 to vector<16xi32>
            %gather3A_285 = arith.constant 0 : i32
            %gather3A_286 = arith.constant 0 : i32
            %gather3A_287 = tpu.memref_slice %arg11[%while3A_241, %gather3A_285, %gather3A_286] : memref<2x8x4096xf32, #tpu.memory_space<vmem>> -> memref<1x8x4096xf32, #tpu.memory_space<vmem>>
            %gather3A_288 = tpu.memref_squeeze %gather3A_287 : memref<1x8x4096xf32, #tpu.memory_space<vmem>> -> memref<8x4096xf32, #tpu.memory_space<vmem>>
            %gather3A_289 = tpu.vector_load_idx %gather3A_288[%broadcast_in_dim3A_284, %and3A_277] : memref<8x4096xf32, #tpu.memory_space<vmem>>[vector<16xi32>, vector<16xi32>], vector<16xf32>,
            tpu.vector_store_idx %arg12[%broadcast_in_dim3A_284, %and3A_266], %gather3A_289 masked %lt3A_272 : memref<8x4096xf32, #tpu.memory_space<vmem>>[vector<16xi32>, vector<16xi32>], vector<16xf32>, vector<16xi1>
            %broadcast_in_dim3A_290 = arith.constant 2 : i32
            %broadcast_in_dim3A_291 = vector.broadcast %broadcast_in_dim3A_290 : i32 to vector<16xi32>
            %gather3A_292 = arith.constant 0 : i32
            %gather3A_293 = arith.constant 0 : i32
            %gather3A_294 = tpu.memref_slice %arg11[%while3A_241, %gather3A_292, %gather3A_293] : memref<2x8x4096xf32, #tpu.memory_space<vmem>> -> memref<1x8x4096xf32, #tpu.memory_space<vmem>>
            %gather3A_295 = tpu.memref_squeeze %gather3A_294 : memref<1x8x4096xf32, #tpu.memory_space<vmem>> -> memref<8x4096xf32, #tpu.memory_space<vmem>>
            %gather3A_296 = tpu.vector_load_idx %gather3A_295[%broadcast_in_dim3A_291, %and3A_277] : memref<8x4096xf32, #tpu.memory_space<vmem>>[vector<16xi32>, vector<16xi32>], vector<16xf32>,
            tpu.vector_store_idx %arg12[%broadcast_in_dim3A_291, %and3A_266], %gather3A_296 masked %lt3A_272 : memref<8x4096xf32, #tpu.memory_space<vmem>>[vector<16xi32>, vector<16xi32>], vector<16xf32>, vector<16xi1>
            %broadcast_in_dim3A_297 = arith.constant 3 : i32
            %broadcast_in_dim3A_298 = vector.broadcast %broadcast_in_dim3A_297 : i32 to vector<16xi32>
            %gather3A_299 = arith.constant 0 : i32
            %gather3A_300 = arith.constant 0 : i32
            %gather3A_301 = tpu.memref_slice %arg11[%while3A_241, %gather3A_299, %gather3A_300] : memref<2x8x4096xf32, #tpu.memory_space<vmem>> -> memref<1x8x4096xf32, #tpu.memory_space<vmem>>
            %gather3A_302 = tpu.memref_squeeze %gather3A_301 : memref<1x8x4096xf32, #tpu.memory_space<vmem>> -> memref<8x4096xf32, #tpu.memory_space<vmem>>
            %gather3A_303 = tpu.vector_load_idx %gather3A_302[%broadcast_in_dim3A_298, %and3A_277] : memref<8x4096xf32, #tpu.memory_space<vmem>>[vector<16xi32>, vector<16xi32>], vector<16xf32>,
            tpu.vector_store_idx %arg12[%broadcast_in_dim3A_298, %and3A_266], %gather3A_303 masked %lt3A_272 : memref<8x4096xf32, #tpu.memory_space<vmem>>[vector<16xi32>, vector<16xi32>], vector<16xf32>, vector<16xi1>
            %broadcast_in_dim3A_304 = arith.constant 4 : i32
            %broadcast_in_dim3A_305 = vector.broadcast %broadcast_in_dim3A_304 : i32 to vector<16xi32>
            %gather3A_306 = arith.constant 0 : i32
            %gather3A_307 = arith.constant 0 : i32
            %gather3A_308 = tpu.memref_slice %arg11[%while3A_241, %gather3A_306, %gather3A_307] : memref<2x8x4096xf32, #tpu.memory_space<vmem>> -> memref<1x8x4096xf32, #tpu.memory_space<vmem>>
            %gather3A_309 = tpu.memref_squeeze %gather3A_308 : memref<1x8x4096xf32, #tpu.memory_space<vmem>> -> memref<8x4096xf32, #tpu.memory_space<vmem>>
            %gather3A_310 = tpu.vector_load_idx %gather3A_309[%broadcast_in_dim3A_305, %and3A_277] : memref<8x4096xf32, #tpu.memory_space<vmem>>[vector<16xi32>, vector<16xi32>], vector<16xf32>,
            tpu.vector_store_idx %arg12[%broadcast_in_dim3A_305, %and3A_266], %gather3A_310 masked %lt3A_272 : memref<8x4096xf32, #tpu.memory_space<vmem>>[vector<16xi32>, vector<16xi32>], vector<16xf32>, vector<16xi1>
            %broadcast_in_dim3A_311 = arith.constant 5 : i32
            %broadcast_in_dim3A_312 = vector.broadcast %broadcast_in_dim3A_311 : i32 to vector<16xi32>
            %gather3A_313 = arith.constant 0 : i32
            %gather3A_314 = arith.constant 0 : i32
            %gather3A_315 = tpu.memref_slice %arg11[%while3A_241, %gather3A_313, %gather3A_314] : memref<2x8x4096xf32, #tpu.memory_space<vmem>> -> memref<1x8x4096xf32, #tpu.memory_space<vmem>>
            %gather3A_316 = tpu.memref_squeeze %gather3A_315 : memref<1x8x4096xf32, #tpu.memory_space<vmem>> -> memref<8x4096xf32, #tpu.memory_space<vmem>>
            %gather3A_317 = tpu.vector_load_idx %gather3A_316[%broadcast_in_dim3A_312, %and3A_277] : memref<8x4096xf32, #tpu.memory_space<vmem>>[vector<16xi32>, vector<16xi32>], vector<16xf32>,
            tpu.vector_store_idx %arg12[%broadcast_in_dim3A_312, %and3A_266], %gather3A_317 masked %lt3A_272 : memref<8x4096xf32, #tpu.memory_space<vmem>>[vector<16xi32>, vector<16xi32>], vector<16xf32>, vector<16xi1>
            %broadcast_in_dim3A_318 = arith.constant 6 : i32
            %broadcast_in_dim3A_319 = vector.broadcast %broadcast_in_dim3A_318 : i32 to vector<16xi32>
            %gather3A_320 = arith.constant 0 : i32
            %gather3A_321 = arith.constant 0 : i32
            %gather3A_322 = tpu.memref_slice %arg11[%while3A_241, %gather3A_320, %gather3A_321] : memref<2x8x4096xf32, #tpu.memory_space<vmem>> -> memref<1x8x4096xf32, #tpu.memory_space<vmem>>
            %gather3A_323 = tpu.memref_squeeze %gather3A_322 : memref<1x8x4096xf32, #tpu.memory_space<vmem>> -> memref<8x4096xf32, #tpu.memory_space<vmem>>
            %gather3A_324 = tpu.vector_load_idx %gather3A_323[%broadcast_in_dim3A_319, %and3A_277] : memref<8x4096xf32, #tpu.memory_space<vmem>>[vector<16xi32>, vector<16xi32>], vector<16xf32>,
            tpu.vector_store_idx %arg12[%broadcast_in_dim3A_319, %and3A_266], %gather3A_324 masked %lt3A_272 : memref<8x4096xf32, #tpu.memory_space<vmem>>[vector<16xi32>, vector<16xi32>], vector<16xf32>, vector<16xi1>
            %broadcast_in_dim3A_325 = arith.constant 7 : i32
            %broadcast_in_dim3A_326 = vector.broadcast %broadcast_in_dim3A_325 : i32 to vector<16xi32>
            %gather3A_327 = arith.constant 0 : i32
            %gather3A_328 = arith.constant 0 : i32
            %gather3A_329 = tpu.memref_slice %arg11[%while3A_241, %gather3A_327, %gather3A_328] : memref<2x8x4096xf32, #tpu.memory_space<vmem>> -> memref<1x8x4096xf32, #tpu.memory_space<vmem>>
            %gather3A_330 = tpu.memref_squeeze %gather3A_329 : memref<1x8x4096xf32, #tpu.memory_space<vmem>> -> memref<8x4096xf32, #tpu.memory_space<vmem>>
            %gather3A_331 = tpu.vector_load_idx %gather3A_330[%broadcast_in_dim3A_326, %and3A_277] : memref<8x4096xf32, #tpu.memory_space<vmem>>[vector<16xi32>, vector<16xi32>], vector<16xf32>,
            tpu.vector_store_idx %arg12[%broadcast_in_dim3A_326, %and3A_266], %gather3A_331 masked %lt3A_272 : memref<8x4096xf32, #tpu.memory_space<vmem>>[vector<16xi32>, vector<16xi32>], vector<16xf32>, vector<16xi1>
          }
          %while3A_250 = arith.constant 1 : i32
          scf.for %while3A_258 = %while3A_248 to %while3A_244 step %while3A_250  : i32 {
            %mul3A_259 = arith.constant 16 : i32
            %mul3A_260 = arith.muli %while3A_258, %mul3A_259 : i32
            %add3A_261 = arith.addi %squeeze3A_228, %mul3A_260 : i32
            %get3A_262 = arith.index_cast %add3A_261 : i32 to index
            %get3A_263 = tpu.vector_load %arg8[%get3A_262] {strides = array<i32>} : memref<4112xi32, #tpu.memory_space<vmem>>, vector<16xi32>,
            %and3A_264 = arith.constant 4095 : i32
            %and3A_265 = vector.broadcast %and3A_264 : i32 to vector<16xi32>
            %and3A_266 = arith.andi %get3A_263, %and3A_265 : vector<16xi32>
            %get3A_267 = arith.index_cast %add3A_261 : i32 to index
            %get3A_268 = tpu.vector_load %arg9[%get3A_267] {strides = array<i32>} : memref<4112xi32, #tpu.memory_space<vmem>>, vector<16xi32>,
            %add3A_269 = vector.broadcast %add3A_261 : i32 to vector<16xi32>
            %add3A_270 = arith.addi %add3A_269, %iota3A : vector<16xi32>
            %lt3A_271 = vector.broadcast %squeeze3A_234 : i32 to vector<16xi32>
            %lt3A_272 = arith.cmpi slt, %add3A_270, %lt3A_271 : vector<16xi32>
            %sub3A_273 = vector.broadcast %multiple_of3A_224 : i32 to vector<16xi32>
            %sub3A_274 = arith.subi %get3A_268, %sub3A_273 : vector<16xi32>
            %and3A_275 = arith.constant 4095 : i32
            %and3A_276 = vector.broadcast %and3A_275 : i32 to vector<16xi32>
            %and3A_277 = arith.andi %sub3A_274, %and3A_276 : vector<16xi32>
            %broadcast_in_dim3A = arith.constant 0 : i32
            %broadcast_in_dim3A_278 = vector.broadcast %broadcast_in_dim3A : i32 to vector<16xi32>
            %gather3A = arith.constant 0 : i32
            %gather3A_279 = arith.constant 0 : i32
            %gather3A_280 = tpu.memref_slice %arg11[%while3A_241, %gather3A, %gather3A_279] : memref<2x8x4096xf32, #tpu.memory_space<vmem>> -> memref<1x8x4096xf32, #tpu.memory_space<vmem>>
            %gather3A_281 = tpu.memref_squeeze %gather3A_280 : memref<1x8x4096xf32, #tpu.memory_space<vmem>> -> memref<8x4096xf32, #tpu.memory_space<vmem>>
            %gather3A_282 = tpu.vector_load_idx %gather3A_281[%broadcast_in_dim3A_278, %and3A_277] : memref<8x4096xf32, #tpu.memory_space<vmem>>[vector<16xi32>, vector<16xi32>], vector<16xf32>,
            tpu.vector_store_idx %arg12[%broadcast_in_dim3A_278, %and3A_266], %gather3A_282 masked %lt3A_272 : memref<8x4096xf32, #tpu.memory_space<vmem>>[vector<16xi32>, vector<16xi32>], vector<16xf32>, vector<16xi1>
            %broadcast_in_dim3A_283 = arith.constant 1 : i32
            %broadcast_in_dim3A_284 = vector.broadcast %broadcast_in_dim3A_283 : i32 to vector<16xi32>
            %gather3A_285 = arith.constant 0 : i32
            %gather3A_286 = arith.constant 0 : i32
            %gather3A_287 = tpu.memref_slice %arg11[%while3A_241, %gather3A_285, %gather3A_286] : memref<2x8x4096xf32, #tpu.memory_space<vmem>> -> memref<1x8x4096xf32, #tpu.memory_space<vmem>>
            %gather3A_288 = tpu.memref_squeeze %gather3A_287 : memref<1x8x4096xf32, #tpu.memory_space<vmem>> -> memref<8x4096xf32, #tpu.memory_space<vmem>>
            %gather3A_289 = tpu.vector_load_idx %gather3A_288[%broadcast_in_dim3A_284, %and3A_277] : memref<8x4096xf32, #tpu.memory_space<vmem>>[vector<16xi32>, vector<16xi32>], vector<16xf32>,
            tpu.vector_store_idx %arg12[%broadcast_in_dim3A_284, %and3A_266], %gather3A_289 masked %lt3A_272 : memref<8x4096xf32, #tpu.memory_space<vmem>>[vector<16xi32>, vector<16xi32>], vector<16xf32>, vector<16xi1>
            %broadcast_in_dim3A_290 = arith.constant 2 : i32
            %broadcast_in_dim3A_291 = vector.broadcast %broadcast_in_dim3A_290 : i32 to vector<16xi32>
            %gather3A_292 = arith.constant 0 : i32
            %gather3A_293 = arith.constant 0 : i32
            %gather3A_294 = tpu.memref_slice %arg11[%while3A_241, %gather3A_292, %gather3A_293] : memref<2x8x4096xf32, #tpu.memory_space<vmem>> -> memref<1x8x4096xf32, #tpu.memory_space<vmem>>
            %gather3A_295 = tpu.memref_squeeze %gather3A_294 : memref<1x8x4096xf32, #tpu.memory_space<vmem>> -> memref<8x4096xf32, #tpu.memory_space<vmem>>
            %gather3A_296 = tpu.vector_load_idx %gather3A_295[%broadcast_in_dim3A_291, %and3A_277] : memref<8x4096xf32, #tpu.memory_space<vmem>>[vector<16xi32>, vector<16xi32>], vector<16xf32>,
            tpu.vector_store_idx %arg12[%broadcast_in_dim3A_291, %and3A_266], %gather3A_296 masked %lt3A_272 : memref<8x4096xf32, #tpu.memory_space<vmem>>[vector<16xi32>, vector<16xi32>], vector<16xf32>, vector<16xi1>
            %broadcast_in_dim3A_297 = arith.constant 3 : i32
            %broadcast_in_dim3A_298 = vector.broadcast %broadcast_in_dim3A_297 : i32 to vector<16xi32>
            %gather3A_299 = arith.constant 0 : i32
            %gather3A_300 = arith.constant 0 : i32
            %gather3A_301 = tpu.memref_slice %arg11[%while3A_241, %gather3A_299, %gather3A_300] : memref<2x8x4096xf32, #tpu.memory_space<vmem>> -> memref<1x8x4096xf32, #tpu.memory_space<vmem>>
            %gather3A_302 = tpu.memref_squeeze %gather3A_301 : memref<1x8x4096xf32, #tpu.memory_space<vmem>> -> memref<8x4096xf32, #tpu.memory_space<vmem>>
            %gather3A_303 = tpu.vector_load_idx %gather3A_302[%broadcast_in_dim3A_298, %and3A_277] : memref<8x4096xf32, #tpu.memory_space<vmem>>[vector<16xi32>, vector<16xi32>], vector<16xf32>,
            tpu.vector_store_idx %arg12[%broadcast_in_dim3A_298, %and3A_266], %gather3A_303 masked %lt3A_272 : memref<8x4096xf32, #tpu.memory_space<vmem>>[vector<16xi32>, vector<16xi32>], vector<16xf32>, vector<16xi1>
            %broadcast_in_dim3A_304 = arith.constant 4 : i32
            %broadcast_in_dim3A_305 = vector.broadcast %broadcast_in_dim3A_304 : i32 to vector<16xi32>
            %gather3A_306 = arith.constant 0 : i32
            %gather3A_307 = arith.constant 0 : i32
            %gather3A_308 = tpu.memref_slice %arg11[%while3A_241, %gather3A_306, %gather3A_307] : memref<2x8x4096xf32, #tpu.memory_space<vmem>> -> memref<1x8x4096xf32, #tpu.memory_space<vmem>>
            %gather3A_309 = tpu.memref_squeeze %gather3A_308 : memref<1x8x4096xf32, #tpu.memory_space<vmem>> -> memref<8x4096xf32, #tpu.memory_space<vmem>>
            %gather3A_310 = tpu.vector_load_idx %gather3A_309[%broadcast_in_dim3A_305, %and3A_277] : memref<8x4096xf32, #tpu.memory_space<vmem>>[vector<16xi32>, vector<16xi32>], vector<16xf32>,
            tpu.vector_store_idx %arg12[%broadcast_in_dim3A_305, %and3A_266], %gather3A_310 masked %lt3A_272 : memref<8x4096xf32, #tpu.memory_space<vmem>>[vector<16xi32>, vector<16xi32>], vector<16xf32>, vector<16xi1>
            %broadcast_in_dim3A_311 = arith.constant 5 : i32
            %broadcast_in_dim3A_312 = vector.broadcast %broadcast_in_dim3A_311 : i32 to vector<16xi32>
            %gather3A_313 = arith.constant 0 : i32
            %gather3A_314 = arith.constant 0 : i32
            %gather3A_315 = tpu.memref_slice %arg11[%while3A_241, %gather3A_313, %gather3A_314] : memref<2x8x4096xf32, #tpu.memory_space<vmem>> -> memref<1x8x4096xf32, #tpu.memory_space<vmem>>
            %gather3A_316 = tpu.memref_squeeze %gather3A_315 : memref<1x8x4096xf32, #tpu.memory_space<vmem>> -> memref<8x4096xf32, #tpu.memory_space<vmem>>
            %gather3A_317 = tpu.vector_load_idx %gather3A_316[%broadcast_in_dim3A_312, %and3A_277] : memref<8x4096xf32, #tpu.memory_space<vmem>>[vector<16xi32>, vector<16xi32>], vector<16xf32>,
            tpu.vector_store_idx %arg12[%broadcast_in_dim3A_312, %and3A_266], %gather3A_317 masked %lt3A_272 : memref<8x4096xf32, #tpu.memory_space<vmem>>[vector<16xi32>, vector<16xi32>], vector<16xf32>, vector<16xi1>
            %broadcast_in_dim3A_318 = arith.constant 6 : i32
            %broadcast_in_dim3A_319 = vector.broadcast %broadcast_in_dim3A_318 : i32 to vector<16xi32>
            %gather3A_320 = arith.constant 0 : i32
            %gather3A_321 = arith.constant 0 : i32
            %gather3A_322 = tpu.memref_slice %arg11[%while3A_241, %gather3A_320, %gather3A_321] : memref<2x8x4096xf32, #tpu.memory_space<vmem>> -> memref<1x8x4096xf32, #tpu.memory_space<vmem>>
            %gather3A_323 = tpu.memref_squeeze %gather3A_322 : memref<1x8x4096xf32, #tpu.memory_space<vmem>> -> memref<8x4096xf32, #tpu.memory_space<vmem>>
            %gather3A_324 = tpu.vector_load_idx %gather3A_323[%broadcast_in_dim3A_319, %and3A_277] : memref<8x4096xf32, #tpu.memory_space<vmem>>[vector<16xi32>, vector<16xi32>], vector<16xf32>,
            tpu.vector_store_idx %arg12[%broadcast_in_dim3A_319, %and3A_266], %gather3A_324 masked %lt3A_272 : memref<8x4096xf32, #tpu.memory_space<vmem>>[vector<16xi32>, vector<16xi32>], vector<16xf32>, vector<16xi1>
            %broadcast_in_dim3A_325 = arith.constant 7 : i32
            %broadcast_in_dim3A_326 = vector.broadcast %broadcast_in_dim3A_325 : i32 to vector<16xi32>
            %gather3A_327 = arith.constant 0 : i32
            %gather3A_328 = arith.constant 0 : i32
            %gather3A_329 = tpu.memref_slice %arg11[%while3A_241, %gather3A_327, %gather3A_328] : memref<2x8x4096xf32, #tpu.memory_space<vmem>> -> memref<1x8x4096xf32, #tpu.memory_space<vmem>>
            %gather3A_330 = tpu.memref_squeeze %gather3A_329 : memref<1x8x4096xf32, #tpu.memory_space<vmem>> -> memref<8x4096xf32, #tpu.memory_space<vmem>>
            %gather3A_331 = tpu.vector_load_idx %gather3A_330[%broadcast_in_dim3A_326, %and3A_277] : memref<8x4096xf32, #tpu.memory_space<vmem>>[vector<16xi32>, vector<16xi32>], vector<16xf32>,
            tpu.vector_store_idx %arg12[%broadcast_in_dim3A_326, %and3A_266], %gather3A_331 masked %lt3A_272 : memref<8x4096xf32, #tpu.memory_space<vmem>>[vector<16xi32>, vector<16xi32>], vector<16xf32>, vector<16xi1>
          }
          %add3A_251 = arith.constant 3 : i32
          %add3A_252 = arith.addi %mul3A_142, %add3A_251 : i32
          %lt3A_253 = arith.constant 10 : i32
          %lt3A_254 = arith.cmpi slt, %add3A_252, %lt3A_253 : i32
          %convert_element_type3A_255 = arith.extui %lt3A_254 : i1 to i32
          %cond3A_256 = arith.constant 0 : i32
          %cond3A_257 = arith.cmpi ne, %convert_element_type3A_255, %cond3A_256 : i32
          scf.if %cond3A_257 {
            %add3A_258 = arith.constant 3 : i32
            %add3A_259 = arith.addi %mul3A_142, %add3A_258 : i32
            %mul3A_260 = arith.constant 4096 : i32
            %mul3A_261 = arith.muli %add3A_259, %mul3A_260 : i32
            %add3A_262 = arith.addi %multiple_of3A_76, %mul3A_261 : i32
            %min3A_263 = arith.constant 995840 : i32
            %min3A_264 = arith.minsi %add3A_262, %min3A_263 : i32
            %multiple_of3A_265 = tpu.assume_multiple %min3A_264, 128 : i32
            %dma_start3A_266 = arith.constant 1 : i32
            %dma_start3A_267 = arith.constant 0 : i32
            %dma_start3A_268 = arith.constant 0 : i32
            %dma_start3A_269 = tpu.memref_slice %arg11[%dma_start3A_266, %dma_start3A_267, %dma_start3A_268] : memref<2x8x4096xf32, #tpu.memory_space<vmem>> -> memref<1x8x4096xf32, #tpu.memory_space<vmem>>
            %dma_start3A_270 = tpu.memref_squeeze %dma_start3A_269 : memref<1x8x4096xf32, #tpu.memory_space<vmem>> -> memref<8x4096xf32, #tpu.memory_space<vmem>>
            %dma_start3A_271 = tpu.memref_slice %arg2[%multiple_of3A, %multiple_of3A_265] : memref<64x1000012xf32, #tpu.memory_space<hbm>> -> memref<8x4096xf32, #tpu.memory_space<hbm>>
            %dma_start3A_272 = arith.constant 0 : i32
            %dma_start3A_273 = arith.constant 0 : i32
            %dma_start3A_274 = tpu.memref_slice %arg11[%dma_start3A_266, %dma_start3A_272, %dma_start3A_273] : memref<2x8x4096xf32, #tpu.memory_space<vmem>> -> memref<1x8x4096xf32, #tpu.memory_space<vmem>>
            %dma_start3A_275 = tpu.memref_squeeze %dma_start3A_274 : memref<1x8x4096xf32, #tpu.memory_space<vmem>> -> memref<8x4096xf32, #tpu.memory_space<vmem>>
            %dma_start3A_276 = tpu.memref_slice %arg2[%multiple_of3A, %multiple_of3A_265] : memref<64x1000012xf32, #tpu.memory_space<hbm>> -> memref<8x4096xf32, #tpu.memory_space<hbm>>
            tpu.enqueue_dma source(%dma_start3A_276 : memref<8x4096xf32, #tpu.memory_space<hbm>>) target(%dma_start3A_275 : memref<8x4096xf32, #tpu.memory_space<vmem>>) target_semaphore(%arg15 : memref<!tpu.dma_semaphore, #tpu.memory_space<semaphore_mem>>)
          } else {
          }
        }
        %scan3A_115 = arith.constant 5 : i32
        %get3A = arith.constant 10 : index
        %get3A_116 = tpu.vector_load %arg10[%get3A] {strides = array<i32>} : memref<128xi32, #tpu.memory_space<vmem>>, vector<16xi32>,
        %slice3A = vector.extract_strided_slice %get3A_116 {offsets = [0], sizes = [1], strides = [1]} : vector<16xi32> to vector<1xi32>
        %squeeze3A = vector.extract %slice3A[0] : i32 from vector<1xi32>
        %get3A_117 = arith.constant 74 : index
        %get3A_118 = tpu.vector_load %arg10[%get3A_117] {strides = array<i32>} : memref<128xi32, #tpu.memory_space<vmem>>, vector<16xi32>,
        %slice3A_119 = vector.extract_strided_slice %get3A_118 {offsets = [0], sizes = [1], strides = [1]} : vector<16xi32> to vector<1xi32>
        %squeeze3A_120 = vector.extract %slice3A_119[0] : i32 from vector<1xi32>
        %sub3A_121 = arith.subi %squeeze3A_120, %squeeze3A : i32
        %add3A_122 = arith.constant 15 : i32
        %add3A_123 = arith.addi %sub3A_121, %add3A_122 : i32
        %shift_right_arithmetic3A = arith.constant 4 : i32
        %shift_right_arithmetic3A_124 = arith.shrsi %add3A_123, %shift_right_arithmetic3A : i32
        %while3A = arith.constant 0 : i32
        %while3A_125 = arith.constant 0 : i32
        %while3A_126 = arith.subi %shift_right_arithmetic3A_124, %while3A_125 : i32
        %while3A_127 = arith.addi %while3A_125, %while3A_126 : i32
        %while3A_128 = arith.constant 1 : i32
        %while3A_129 = arith.divsi %while3A_126, %while3A_128 : i32
        %while3A_130 = arith.muli %while3A_129, %while3A_128 : i32
        %while3A_131 = arith.addi %while3A_125, %while3A_130 : i32
        %while3A_132 = arith.constant 1 : i32
        scf.for %while3A_140 = %while3A_125 to %while3A_131 step %while3A_132  : i32 {
          %mul3A_141 = arith.constant 16 : i32
          %mul3A_142 = arith.muli %while3A_140, %mul3A_141 : i32
          %add3A_143 = arith.addi %squeeze3A, %mul3A_142 : i32
          %get3A_144 = arith.index_cast %add3A_143 : i32 to index
          %get3A_145 = tpu.vector_load %arg8[%get3A_144] {strides = array<i32>} : memref<4112xi32, #tpu.memory_space<vmem>>, vector<16xi32>,
          %and3A_146 = arith.constant 4095 : i32
          %and3A_147 = vector.broadcast %and3A_146 : i32 to vector<16xi32>
          %and3A_148 = arith.andi %get3A_145, %and3A_147 : vector<16xi32>
          %get3A_149 = arith.index_cast %add3A_143 : i32 to index
          %get3A_150 = tpu.vector_load %arg9[%get3A_149] {strides = array<i32>} : memref<4112xi32, #tpu.memory_space<vmem>>, vector<16xi32>,
          %add3A_151 = vector.broadcast %add3A_143 : i32 to vector<16xi32>
          %add3A_152 = arith.addi %add3A_151, %iota3A : vector<16xi32>
          %lt3A_153 = vector.broadcast %squeeze3A_120 : i32 to vector<16xi32>
          %lt3A_154 = arith.cmpi slt, %add3A_152, %lt3A_153 : vector<16xi32>
          %sub3A_155 = arith.constant 999936 : i32
          %sub3A_156 = vector.broadcast %sub3A_155 : i32 to vector<16xi32>
          %sub3A_157 = arith.subi %get3A_150, %sub3A_156 : vector<16xi32>
          %and3A_158 = arith.constant 127 : i32
          %and3A_159 = vector.broadcast %and3A_158 : i32 to vector<16xi32>
          %and3A_160 = arith.andi %sub3A_157, %and3A_159 : vector<16xi32>
          %broadcast_in_dim3A = arith.constant 0 : i32
          %broadcast_in_dim3A_161 = vector.broadcast %broadcast_in_dim3A : i32 to vector<16xi32>
          %add3A_162 = vector.broadcast %multiple_of3A : i32 to vector<16xi32>
          %add3A_163 = arith.addi %add3A_162, %broadcast_in_dim3A_161 : vector<16xi32>
          %gather3A = tpu.vector_load_idx %arg13[%and3A_160, %add3A_163] : memref<128x128xf32, #tpu.memory_space<vmem>>[vector<16xi32>, vector<16xi32>], vector<16xf32>,
          tpu.vector_store_idx %arg12[%broadcast_in_dim3A_161, %and3A_148], %gather3A masked %lt3A_154 : memref<8x4096xf32, #tpu.memory_space<vmem>>[vector<16xi32>, vector<16xi32>], vector<16xf32>, vector<16xi1>
          %broadcast_in_dim3A_164 = arith.constant 1 : i32
          %broadcast_in_dim3A_165 = vector.broadcast %broadcast_in_dim3A_164 : i32 to vector<16xi32>
          %add3A_166 = vector.broadcast %multiple_of3A : i32 to vector<16xi32>
          %add3A_167 = arith.addi %add3A_166, %broadcast_in_dim3A_165 : vector<16xi32>
          %gather3A_168 = tpu.vector_load_idx %arg13[%and3A_160, %add3A_167] : memref<128x128xf32, #tpu.memory_space<vmem>>[vector<16xi32>, vector<16xi32>], vector<16xf32>,
          tpu.vector_store_idx %arg12[%broadcast_in_dim3A_165, %and3A_148], %gather3A_168 masked %lt3A_154 : memref<8x4096xf32, #tpu.memory_space<vmem>>[vector<16xi32>, vector<16xi32>], vector<16xf32>, vector<16xi1>
          %broadcast_in_dim3A_169 = arith.constant 2 : i32
          %broadcast_in_dim3A_170 = vector.broadcast %broadcast_in_dim3A_169 : i32 to vector<16xi32>
          %add3A_171 = vector.broadcast %multiple_of3A : i32 to vector<16xi32>
          %add3A_172 = arith.addi %add3A_171, %broadcast_in_dim3A_170 : vector<16xi32>
          %gather3A_173 = tpu.vector_load_idx %arg13[%and3A_160, %add3A_172] : memref<128x128xf32, #tpu.memory_space<vmem>>[vector<16xi32>, vector<16xi32>], vector<16xf32>,
          tpu.vector_store_idx %arg12[%broadcast_in_dim3A_170, %and3A_148], %gather3A_173 masked %lt3A_154 : memref<8x4096xf32, #tpu.memory_space<vmem>>[vector<16xi32>, vector<16xi32>], vector<16xf32>, vector<16xi1>
          %broadcast_in_dim3A_174 = arith.constant 3 : i32
          %broadcast_in_dim3A_175 = vector.broadcast %broadcast_in_dim3A_174 : i32 to vector<16xi32>
          %add3A_176 = vector.broadcast %multiple_of3A : i32 to vector<16xi32>
          %add3A_177 = arith.addi %add3A_176, %broadcast_in_dim3A_175 : vector<16xi32>
          %gather3A_178 = tpu.vector_load_idx %arg13[%and3A_160, %add3A_177] : memref<128x128xf32, #tpu.memory_space<vmem>>[vector<16xi32>, vector<16xi32>], vector<16xf32>,
          tpu.vector_store_idx %arg12[%broadcast_in_dim3A_175, %and3A_148], %gather3A_178 masked %lt3A_154 : memref<8x4096xf32, #tpu.memory_space<vmem>>[vector<16xi32>, vector<16xi32>], vector<16xf32>, vector<16xi1>
          %broadcast_in_dim3A_179 = arith.constant 4 : i32
          %broadcast_in_dim3A_180 = vector.broadcast %broadcast_in_dim3A_179 : i32 to vector<16xi32>
          %add3A_181 = vector.broadcast %multiple_of3A : i32 to vector<16xi32>
          %add3A_182 = arith.addi %add3A_181, %broadcast_in_dim3A_180 : vector<16xi32>
          %gather3A_183 = tpu.vector_load_idx %arg13[%and3A_160, %add3A_182] : memref<128x128xf32, #tpu.memory_space<vmem>>[vector<16xi32>, vector<16xi32>], vector<16xf32>,
          tpu.vector_store_idx %arg12[%broadcast_in_dim3A_180, %and3A_148], %gather3A_183 masked %lt3A_154 : memref<8x4096xf32, #tpu.memory_space<vmem>>[vector<16xi32>, vector<16xi32>], vector<16xf32>, vector<16xi1>
          %broadcast_in_dim3A_184 = arith.constant 5 : i32
          %broadcast_in_dim3A_185 = vector.broadcast %broadcast_in_dim3A_184 : i32 to vector<16xi32>
          %add3A_186 = vector.broadcast %multiple_of3A : i32 to vector<16xi32>
          %add3A_187 = arith.addi %add3A_186, %broadcast_in_dim3A_185 : vector<16xi32>
          %gather3A_188 = tpu.vector_load_idx %arg13[%and3A_160, %add3A_187] : memref<128x128xf32, #tpu.memory_space<vmem>>[vector<16xi32>, vector<16xi32>], vector<16xf32>,
          tpu.vector_store_idx %arg12[%broadcast_in_dim3A_185, %and3A_148], %gather3A_188 masked %lt3A_154 : memref<8x4096xf32, #tpu.memory_space<vmem>>[vector<16xi32>, vector<16xi32>], vector<16xf32>, vector<16xi1>
          %broadcast_in_dim3A_189 = arith.constant 6 : i32
          %broadcast_in_dim3A_190 = vector.broadcast %broadcast_in_dim3A_189 : i32 to vector<16xi32>
          %add3A_191 = vector.broadcast %multiple_of3A : i32 to vector<16xi32>
          %add3A_192 = arith.addi %add3A_191, %broadcast_in_dim3A_190 : vector<16xi32>
          %gather3A_193 = tpu.vector_load_idx %arg13[%and3A_160, %add3A_192] : memref<128x128xf32, #tpu.memory_space<vmem>>[vector<16xi32>, vector<16xi32>], vector<16xf32>,
          tpu.vector_store_idx %arg12[%broadcast_in_dim3A_190, %and3A_148], %gather3A_193 masked %lt3A_154 : memref<8x4096xf32, #tpu.memory_space<vmem>>[vector<16xi32>, vector<16xi32>], vector<16xf32>, vector<16xi1>
          %broadcast_in_dim3A_194 = arith.constant 7 : i32
          %broadcast_in_dim3A_195 = vector.broadcast %broadcast_in_dim3A_194 : i32 to vector<16xi32>
          %add3A_196 = vector.broadcast %multiple_of3A : i32 to vector<16xi32>
          %add3A_197 = arith.addi %add3A_196, %broadcast_in_dim3A_195 : vector<16xi32>
          %gather3A_198 = tpu.vector_load_idx %arg13[%and3A_160, %add3A_197] : memref<128x128xf32, #tpu.memory_space<vmem>>[vector<16xi32>, vector<16xi32>], vector<16xf32>,
          tpu.vector_store_idx %arg12[%broadcast_in_dim3A_195, %and3A_148], %gather3A_198 masked %lt3A_154 : memref<8x4096xf32, #tpu.memory_space<vmem>>[vector<16xi32>, vector<16xi32>], vector<16xf32>, vector<16xi1>
        }
        %while3A_133 = arith.constant 1 : i32
        scf.for %while3A_140 = %while3A_131 to %while3A_127 step %while3A_133  : i32 {
          %mul3A_141 = arith.constant 16 : i32
          %mul3A_142 = arith.muli %while3A_140, %mul3A_141 : i32
          %add3A_143 = arith.addi %squeeze3A, %mul3A_142 : i32
          %get3A_144 = arith.index_cast %add3A_143 : i32 to index
          %get3A_145 = tpu.vector_load %arg8[%get3A_144] {strides = array<i32>} : memref<4112xi32, #tpu.memory_space<vmem>>, vector<16xi32>,
          %and3A_146 = arith.constant 4095 : i32
          %and3A_147 = vector.broadcast %and3A_146 : i32 to vector<16xi32>
          %and3A_148 = arith.andi %get3A_145, %and3A_147 : vector<16xi32>
          %get3A_149 = arith.index_cast %add3A_143 : i32 to index
          %get3A_150 = tpu.vector_load %arg9[%get3A_149] {strides = array<i32>} : memref<4112xi32, #tpu.memory_space<vmem>>, vector<16xi32>,
          %add3A_151 = vector.broadcast %add3A_143 : i32 to vector<16xi32>
          %add3A_152 = arith.addi %add3A_151, %iota3A : vector<16xi32>
          %lt3A_153 = vector.broadcast %squeeze3A_120 : i32 to vector<16xi32>
          %lt3A_154 = arith.cmpi slt, %add3A_152, %lt3A_153 : vector<16xi32>
          %sub3A_155 = arith.constant 999936 : i32
          %sub3A_156 = vector.broadcast %sub3A_155 : i32 to vector<16xi32>
          %sub3A_157 = arith.subi %get3A_150, %sub3A_156 : vector<16xi32>
          %and3A_158 = arith.constant 127 : i32
          %and3A_159 = vector.broadcast %and3A_158 : i32 to vector<16xi32>
          %and3A_160 = arith.andi %sub3A_157, %and3A_159 : vector<16xi32>
          %broadcast_in_dim3A = arith.constant 0 : i32
          %broadcast_in_dim3A_161 = vector.broadcast %broadcast_in_dim3A : i32 to vector<16xi32>
          %add3A_162 = vector.broadcast %multiple_of3A : i32 to vector<16xi32>
          %add3A_163 = arith.addi %add3A_162, %broadcast_in_dim3A_161 : vector<16xi32>
          %gather3A = tpu.vector_load_idx %arg13[%and3A_160, %add3A_163] : memref<128x128xf32, #tpu.memory_space<vmem>>[vector<16xi32>, vector<16xi32>], vector<16xf32>,
          tpu.vector_store_idx %arg12[%broadcast_in_dim3A_161, %and3A_148], %gather3A masked %lt3A_154 : memref<8x4096xf32, #tpu.memory_space<vmem>>[vector<16xi32>, vector<16xi32>], vector<16xf32>, vector<16xi1>
          %broadcast_in_dim3A_164 = arith.constant 1 : i32
          %broadcast_in_dim3A_165 = vector.broadcast %broadcast_in_dim3A_164 : i32 to vector<16xi32>
          %add3A_166 = vector.broadcast %multiple_of3A : i32 to vector<16xi32>
          %add3A_167 = arith.addi %add3A_166, %broadcast_in_dim3A_165 : vector<16xi32>
          %gather3A_168 = tpu.vector_load_idx %arg13[%and3A_160, %add3A_167] : memref<128x128xf32, #tpu.memory_space<vmem>>[vector<16xi32>, vector<16xi32>], vector<16xf32>,
          tpu.vector_store_idx %arg12[%broadcast_in_dim3A_165, %and3A_148], %gather3A_168 masked %lt3A_154 : memref<8x4096xf32, #tpu.memory_space<vmem>>[vector<16xi32>, vector<16xi32>], vector<16xf32>, vector<16xi1>
          %broadcast_in_dim3A_169 = arith.constant 2 : i32
          %broadcast_in_dim3A_170 = vector.broadcast %broadcast_in_dim3A_169 : i32 to vector<16xi32>
          %add3A_171 = vector.broadcast %multiple_of3A : i32 to vector<16xi32>
          %add3A_172 = arith.addi %add3A_171, %broadcast_in_dim3A_170 : vector<16xi32>
          %gather3A_173 = tpu.vector_load_idx %arg13[%and3A_160, %add3A_172] : memref<128x128xf32, #tpu.memory_space<vmem>>[vector<16xi32>, vector<16xi32>], vector<16xf32>,
          tpu.vector_store_idx %arg12[%broadcast_in_dim3A_170, %and3A_148], %gather3A_173 masked %lt3A_154 : memref<8x4096xf32, #tpu.memory_space<vmem>>[vector<16xi32>, vector<16xi32>], vector<16xf32>, vector<16xi1>
          %broadcast_in_dim3A_174 = arith.constant 3 : i32
          %broadcast_in_dim3A_175 = vector.broadcast %broadcast_in_dim3A_174 : i32 to vector<16xi32>
          %add3A_176 = vector.broadcast %multiple_of3A : i32 to vector<16xi32>
          %add3A_177 = arith.addi %add3A_176, %broadcast_in_dim3A_175 : vector<16xi32>
          %gather3A_178 = tpu.vector_load_idx %arg13[%and3A_160, %add3A_177] : memref<128x128xf32, #tpu.memory_space<vmem>>[vector<16xi32>, vector<16xi32>], vector<16xf32>,
          tpu.vector_store_idx %arg12[%broadcast_in_dim3A_175, %and3A_148], %gather3A_178 masked %lt3A_154 : memref<8x4096xf32, #tpu.memory_space<vmem>>[vector<16xi32>, vector<16xi32>], vector<16xf32>, vector<16xi1>
          %broadcast_in_dim3A_179 = arith.constant 4 : i32
          %broadcast_in_dim3A_180 = vector.broadcast %broadcast_in_dim3A_179 : i32 to vector<16xi32>
          %add3A_181 = vector.broadcast %multiple_of3A : i32 to vector<16xi32>
          %add3A_182 = arith.addi %add3A_181, %broadcast_in_dim3A_180 : vector<16xi32>
          %gather3A_183 = tpu.vector_load_idx %arg13[%and3A_160, %add3A_182] : memref<128x128xf32, #tpu.memory_space<vmem>>[vector<16xi32>, vector<16xi32>], vector<16xf32>,
          tpu.vector_store_idx %arg12[%broadcast_in_dim3A_180, %and3A_148], %gather3A_183 masked %lt3A_154 : memref<8x4096xf32, #tpu.memory_space<vmem>>[vector<16xi32>, vector<16xi32>], vector<16xf32>, vector<16xi1>
          %broadcast_in_dim3A_184 = arith.constant 5 : i32
          %broadcast_in_dim3A_185 = vector.broadcast %broadcast_in_dim3A_184 : i32 to vector<16xi32>
          %add3A_186 = vector.broadcast %multiple_of3A : i32 to vector<16xi32>
          %add3A_187 = arith.addi %add3A_186, %broadcast_in_dim3A_185 : vector<16xi32>
          %gather3A_188 = tpu.vector_load_idx %arg13[%and3A_160, %add3A_187] : memref<128x128xf32, #tpu.memory_space<vmem>>[vector<16xi32>, vector<16xi32>], vector<16xf32>,
          tpu.vector_store_idx %arg12[%broadcast_in_dim3A_185, %and3A_148], %gather3A_188 masked %lt3A_154 : memref<8x4096xf32, #tpu.memory_space<vmem>>[vector<16xi32>, vector<16xi32>], vector<16xf32>, vector<16xi1>
          %broadcast_in_dim3A_189 = arith.constant 6 : i32
          %broadcast_in_dim3A_190 = vector.broadcast %broadcast_in_dim3A_189 : i32 to vector<16xi32>
          %add3A_191 = vector.broadcast %multiple_of3A : i32 to vector<16xi32>
          %add3A_192 = arith.addi %add3A_191, %broadcast_in_dim3A_190 : vector<16xi32>
          %gather3A_193 = tpu.vector_load_idx %arg13[%and3A_160, %add3A_192] : memref<128x128xf32, #tpu.memory_space<vmem>>[vector<16xi32>, vector<16xi32>], vector<16xf32>,
          tpu.vector_store_idx %arg12[%broadcast_in_dim3A_190, %and3A_148], %gather3A_193 masked %lt3A_154 : memref<8x4096xf32, #tpu.memory_space<vmem>>[vector<16xi32>, vector<16xi32>], vector<16xf32>, vector<16xi1>
          %broadcast_in_dim3A_194 = arith.constant 7 : i32
          %broadcast_in_dim3A_195 = vector.broadcast %broadcast_in_dim3A_194 : i32 to vector<16xi32>
          %add3A_196 = vector.broadcast %multiple_of3A : i32 to vector<16xi32>
          %add3A_197 = arith.addi %add3A_196, %broadcast_in_dim3A_195 : vector<16xi32>
          %gather3A_198 = tpu.vector_load_idx %arg13[%and3A_160, %add3A_197] : memref<128x128xf32, #tpu.memory_space<vmem>>[vector<16xi32>, vector<16xi32>], vector<16xf32>,
          tpu.vector_store_idx %arg12[%broadcast_in_dim3A_195, %and3A_148], %gather3A_198 masked %lt3A_154 : memref<8x4096xf32, #tpu.memory_space<vmem>>[vector<16xi32>, vector<16xi32>], vector<16xf32>, vector<16xi1>
        }
        %mul3A_134 = arith.constant 64 : i32
        %mul3A_135 = arith.muli %select_n3A_21, %mul3A_134 : i32
        %mul3A_136 = arith.constant 8 : i32
        %mul3A_137 = arith.muli %select_n3A_42, %mul3A_136 : i32
        %add3A_138 = arith.addi %mul3A_135, %mul3A_137 : i32
        %multiple_of3A_139 = tpu.assume_multiple %add3A_138, 8 : i32
        "tpu.region"() ({
          %run_scoped3A = tpu.sem_alloc : memref<!tpu.dma_semaphore, #tpu.memory_space<semaphore_mem>>
          %dma_start3A_140 = arith.constant 0 : i32
          %dma_start3A_141 = tpu.memref_slice %arg7[%multiple_of3A_139, %dma_start3A_140] : memref<1664x4096xf32, #tpu.memory_space<hbm>> -> memref<8x4096xf32, #tpu.memory_space<hbm>>
          %dma_start3A_142 = arith.constant 0 : i32
          %dma_start3A_143 = tpu.memref_slice %arg7[%multiple_of3A_139, %dma_start3A_142] : memref<1664x4096xf32, #tpu.memory_space<hbm>> -> memref<8x4096xf32, #tpu.memory_space<hbm>>
          tpu.enqueue_dma source(%arg12 : memref<8x4096xf32, #tpu.memory_space<vmem>>) target(%dma_start3A_143 : memref<8x4096xf32, #tpu.memory_space<hbm>>) target_semaphore(%run_scoped3A : memref<!tpu.dma_semaphore, #tpu.memory_space<semaphore_mem>>)
          %dma_wait3A = arith.constant 0 : i32
          %dma_wait3A_144 = tpu.memref_slice %arg7[%multiple_of3A_139, %dma_wait3A] : memref<1664x4096xf32, #tpu.memory_space<hbm>> -> memref<8x4096xf32, #tpu.memory_space<hbm>>
          %dma_wait3A_145 = arith.constant 0 : i32
          %dma_wait3A_146 = tpu.memref_slice %arg7[%multiple_of3A_139, %dma_wait3A_145] : memref<1664x4096xf32, #tpu.memory_space<hbm>> -> memref<8x4096xf32, #tpu.memory_space<hbm>>
          tpu.wait_dma2 semaphore(%run_scoped3A : memref<!tpu.dma_semaphore, #tpu.memory_space<semaphore_mem>>) src(%arg12 : memref<8x4096xf32, #tpu.memory_space<vmem>>) dst(%dma_wait3A_146 : memref<8x4096xf32, #tpu.memory_space<hbm>>)
          tpu.yield
        }) : () -> ()
      } else {
      }
    }
    %scan3A_5 = arith.constant 7 : i32
    return
  }
}

module attributes {stable_mosaic.version = 14 : i64} {
  func.func @tc_mlp(%arg0: i32, %arg1: memref<1664x1024xf32, #tpu.memory_space<vmem>>, %arg2: memref<1024x1664xf32, #tpu.memory_space<vmem>>, %arg3: memref<1024xf32, #tpu.memory_space<vmem>>, %arg4: memref<1024xf32, #tpu.memory_space<vmem>>, %arg5: memref<1024xf32, #tpu.memory_space<vmem>>, %arg6: memref<1024xf32, #tpu.memory_space<vmem>>, %arg7: memref<1024xf32, #tpu.memory_space<vmem>>, %arg8: memref<512x1024xf32, #tpu.memory_space<vmem>>, %arg9: memref<512xf32, #tpu.memory_space<vmem>>, %arg10: memref<512xf32, #tpu.memory_space<vmem>>, %arg11: memref<512xf32, #tpu.memory_space<vmem>>, %arg12: memref<512xf32, #tpu.memory_space<vmem>>, %arg13: memref<512xf32, #tpu.memory_space<vmem>>, %arg14: memref<256x512xf32, #tpu.memory_space<vmem>>, %arg15: memref<256xf32, #tpu.memory_space<vmem>>, %arg16: memref<256xf32, #tpu.memory_space<vmem>>, %arg17: memref<256xf32, #tpu.memory_space<vmem>>, %arg18: memref<256xf32, #tpu.memory_space<vmem>>, %arg19: memref<256xf32, #tpu.memory_space<vmem>>, %arg20: memref<1x256xf32, #tpu.memory_space<vmem>>, %arg21: memref<1x1xf32, #tpu.memory_space<vmem>>, %arg22: memref<1024xf32, #tpu.memory_space<vmem>>) attributes {dimension_semantics = [#tpu.dimension_semantics<arbitrary>], iteration_bounds = array<i64: 4>, scalar_prefetch = 0 : i64, scratch_operands = 0 : i64, tpu.core_type = #tpu.core_type<tc>, window_params = [{transform_indices = @transform_0, window_bounds = array<i64: 1664, 1024>}, {pipeline_mode = #tpu.pipeline_mode<synchronous>, transform_indices = @transform_1, window_bounds = array<i64: 1024, 1664>}, {pipeline_mode = #tpu.pipeline_mode<synchronous>, transform_indices = @transform_2, window_bounds = array<i64: 1024>}, {pipeline_mode = #tpu.pipeline_mode<synchronous>, transform_indices = @transform_3, window_bounds = array<i64: 1024>}, {pipeline_mode = #tpu.pipeline_mode<synchronous>, transform_indices = @transform_4, window_bounds = array<i64: 1024>}, {pipeline_mode = #tpu.pipeline_mode<synchronous>, transform_indices = @transform_5, window_bounds = array<i64: 1024>}, {pipeline_mode = #tpu.pipeline_mode<synchronous>, transform_indices = @transform_6, window_bounds = array<i64: 1024>}, {pipeline_mode = #tpu.pipeline_mode<synchronous>, transform_indices = @transform_7, window_bounds = array<i64: 512, 1024>}, {pipeline_mode = #tpu.pipeline_mode<synchronous>, transform_indices = @transform_8, window_bounds = array<i64: 512>}, {pipeline_mode = #tpu.pipeline_mode<synchronous>, transform_indices = @transform_9, window_bounds = array<i64: 512>}, {pipeline_mode = #tpu.pipeline_mode<synchronous>, transform_indices = @transform_10, window_bounds = array<i64: 512>}, {pipeline_mode = #tpu.pipeline_mode<synchronous>, transform_indices = @transform_11, window_bounds = array<i64: 512>}, {pipeline_mode = #tpu.pipeline_mode<synchronous>, transform_indices = @transform_12, window_bounds = array<i64: 512>}, {pipeline_mode = #tpu.pipeline_mode<synchronous>, transform_indices = @transform_13, window_bounds = array<i64: 256, 512>}, {pipeline_mode = #tpu.pipeline_mode<synchronous>, transform_indices = @transform_14, window_bounds = array<i64: 256>}, {pipeline_mode = #tpu.pipeline_mode<synchronous>, transform_indices = @transform_15, window_bounds = array<i64: 256>}, {pipeline_mode = #tpu.pipeline_mode<synchronous>, transform_indices = @transform_16, window_bounds = array<i64: 256>}, {pipeline_mode = #tpu.pipeline_mode<synchronous>, transform_indices = @transform_17, window_bounds = array<i64: 256>}, {pipeline_mode = #tpu.pipeline_mode<synchronous>, transform_indices = @transform_18, window_bounds = array<i64: 256>}, {pipeline_mode = #tpu.pipeline_mode<synchronous>, transform_indices = @transform_19, window_bounds = array<i64: 1, 256>}, {pipeline_mode = #tpu.pipeline_mode<synchronous>, transform_indices = @transform_20, window_bounds = array<i64: 1, 1>}, {transform_indices = @transform_21, window_bounds = array<i64: 1024>}]} {
    %get3A = arith.constant 0 : index
    %get3A_0 = arith.constant 0 : index
    %get3A_1 = vector.load %arg1[%get3A, %get3A_0] : memref<1664x1024xf32, #tpu.memory_space<vmem>>, vector<1664x1024xf32>
    %get3A_2 = arith.constant 0 : index
    %get3A_3 = arith.constant 0 : index
    %get3A_4 = vector.load %arg2[%get3A_2, %get3A_3] : memref<1024x1664xf32, #tpu.memory_space<vmem>>, vector<1024x1664xf32>
    %dot_general3A = arith.constant dense<0.000000e+00> : vector<1024x1024xf32>
    %dot_general3A_5 = tpu.matmul %get3A_1, %get3A_4, %dot_general3A {dimension_numbers = #tpu.dot_dimension_numbers<[0], [1], [1], [0], [0, 1, 1, 0], [], []>, transpose_lhs_hint = false} : vector<1664x1024xf32>, vector<1024x1664xf32>, vector<1024x1024xf32> -> vector<1024x1024xf32>
    %get3A_6 = arith.constant 0 : index
    %get3A_7 = vector.load %arg4[%get3A_6] : memref<1024xf32, #tpu.memory_space<vmem>>, vector<1024xf32>
    %get3A_8 = arith.constant 0 : index
    %get3A_9 = vector.load %arg7[%get3A_8] : memref<1024xf32, #tpu.memory_space<vmem>>, vector<1024xf32>
    %add3A = arith.constant 9.99999974E-6 : f32
    %add3A_10 = vector.broadcast %add3A : f32 to vector<1024xf32>
    %add3A_11 = arith.addf %get3A_9, %add3A_10 : vector<1024xf32>
    %rsqrt3A = math.rsqrt %add3A_11 : vector<1024xf32>
    %mul3A = arith.mulf %get3A_7, %rsqrt3A : vector<1024xf32>
    %get3A_12 = arith.constant 0 : index
    %get3A_13 = vector.load %arg3[%get3A_12] : memref<1024xf32, #tpu.memory_space<vmem>>, vector<1024xf32>
    %get3A_14 = arith.constant 0 : index
    %get3A_15 = vector.load %arg6[%get3A_14] : memref<1024xf32, #tpu.memory_space<vmem>>, vector<1024xf32>
    %sub3A = arith.subf %get3A_13, %get3A_15 : vector<1024xf32>
    %broadcast_in_dim3A = vector.shape_cast %sub3A : vector<1024xf32> to vector<1x1024xf32>
    %add3A_16 = vector.broadcast %broadcast_in_dim3A : vector<1x1024xf32> to vector<1024x1024xf32>
    %add3A_17 = arith.addf %dot_general3A_5, %add3A_16 : vector<1024x1024xf32>
    %broadcast_in_dim3A_18 = vector.shape_cast %mul3A : vector<1024xf32> to vector<1x1024xf32>
    %mul3A_19 = vector.broadcast %broadcast_in_dim3A_18 : vector<1x1024xf32> to vector<1024x1024xf32>
    %mul3A_20 = arith.mulf %add3A_17, %mul3A_19 : vector<1024x1024xf32>
    %get3A_21 = arith.constant 0 : index
    %get3A_22 = vector.load %arg5[%get3A_21] : memref<1024xf32, #tpu.memory_space<vmem>>, vector<1024xf32>
    %broadcast_in_dim3A_23 = vector.shape_cast %get3A_22 : vector<1024xf32> to vector<1x1024xf32>
    %add3A_24 = vector.broadcast %broadcast_in_dim3A_23 : vector<1x1024xf32> to vector<1024x1024xf32>
    %add3A_25 = arith.addf %mul3A_20, %add3A_24 : vector<1024x1024xf32>
    %max3A = arith.constant 0.000000e+00 : f32
    %max3A_26 = vector.broadcast %max3A : f32 to vector<1024x1024xf32>
    %max3A_27 = arith.maximumf %add3A_25, %max3A_26 : vector<1024x1024xf32>
    %get3A_28 = arith.constant 0 : index
    %get3A_29 = arith.constant 0 : index
    %get3A_30 = vector.load %arg8[%get3A_28, %get3A_29] : memref<512x1024xf32, #tpu.memory_space<vmem>>, vector<512x1024xf32>
    %dot_general3A_31 = arith.constant dense<0.000000e+00> : vector<1024x512xf32>
    %dot_general3A_32 = tpu.matmul %max3A_27, %get3A_30, %dot_general3A_31 {dimension_numbers = #tpu.dot_dimension_numbers<[1], [1], [0], [0], [0, 0, 1, 0], [], []>, transpose_lhs_hint = false} : vector<1024x1024xf32>, vector<512x1024xf32>, vector<1024x512xf32> -> vector<1024x512xf32>
    %get3A_33 = arith.constant 0 : index
    %get3A_34 = vector.load %arg10[%get3A_33] : memref<512xf32, #tpu.memory_space<vmem>>, vector<512xf32>
    %get3A_35 = arith.constant 0 : index
    %get3A_36 = vector.load %arg13[%get3A_35] : memref<512xf32, #tpu.memory_space<vmem>>, vector<512xf32>
    %add3A_37 = arith.constant 9.99999974E-6 : f32
    %add3A_38 = vector.broadcast %add3A_37 : f32 to vector<512xf32>
    %add3A_39 = arith.addf %get3A_36, %add3A_38 : vector<512xf32>
    %rsqrt3A_40 = math.rsqrt %add3A_39 : vector<512xf32>
    %mul3A_41 = arith.mulf %get3A_34, %rsqrt3A_40 : vector<512xf32>
    %get3A_42 = arith.constant 0 : index
    %get3A_43 = vector.load %arg9[%get3A_42] : memref<512xf32, #tpu.memory_space<vmem>>, vector<512xf32>
    %get3A_44 = arith.constant 0 : index
    %get3A_45 = vector.load %arg12[%get3A_44] : memref<512xf32, #tpu.memory_space<vmem>>, vector<512xf32>
    %sub3A_46 = arith.subf %get3A_43, %get3A_45 : vector<512xf32>
    %broadcast_in_dim3A_47 = vector.shape_cast %sub3A_46 : vector<512xf32> to vector<1x512xf32>
    %add3A_48 = vector.broadcast %broadcast_in_dim3A_47 : vector<1x512xf32> to vector<1024x512xf32>
    %add3A_49 = arith.addf %dot_general3A_32, %add3A_48 : vector<1024x512xf32>
    %broadcast_in_dim3A_50 = vector.shape_cast %mul3A_41 : vector<512xf32> to vector<1x512xf32>
    %mul3A_51 = vector.broadcast %broadcast_in_dim3A_50 : vector<1x512xf32> to vector<1024x512xf32>
    %mul3A_52 = arith.mulf %add3A_49, %mul3A_51 : vector<1024x512xf32>
    %get3A_53 = arith.constant 0 : index
    %get3A_54 = vector.load %arg11[%get3A_53] : memref<512xf32, #tpu.memory_space<vmem>>, vector<512xf32>
    %broadcast_in_dim3A_55 = vector.shape_cast %get3A_54 : vector<512xf32> to vector<1x512xf32>
    %add3A_56 = vector.broadcast %broadcast_in_dim3A_55 : vector<1x512xf32> to vector<1024x512xf32>
    %add3A_57 = arith.addf %mul3A_52, %add3A_56 : vector<1024x512xf32>
    %max3A_58 = arith.constant 0.000000e+00 : f32
    %max3A_59 = vector.broadcast %max3A_58 : f32 to vector<1024x512xf32>
    %max3A_60 = arith.maximumf %add3A_57, %max3A_59 : vector<1024x512xf32>
    %get3A_61 = arith.constant 0 : index
    %get3A_62 = arith.constant 0 : index
    %get3A_63 = vector.load %arg14[%get3A_61, %get3A_62] : memref<256x512xf32, #tpu.memory_space<vmem>>, vector<256x512xf32>
    %dot_general3A_64 = arith.constant dense<0.000000e+00> : vector<1024x256xf32>
    %dot_general3A_65 = tpu.matmul %max3A_60, %get3A_63, %dot_general3A_64 {dimension_numbers = #tpu.dot_dimension_numbers<[1], [1], [0], [0], [0, 0, 1, 0], [], []>, transpose_lhs_hint = false} : vector<1024x512xf32>, vector<256x512xf32>, vector<1024x256xf32> -> vector<1024x256xf32>
    %get3A_66 = arith.constant 0 : index
    %get3A_67 = vector.load %arg16[%get3A_66] : memref<256xf32, #tpu.memory_space<vmem>>, vector<256xf32>
    %get3A_68 = arith.constant 0 : index
    %get3A_69 = vector.load %arg19[%get3A_68] : memref<256xf32, #tpu.memory_space<vmem>>, vector<256xf32>
    %add3A_70 = arith.constant 9.99999974E-6 : f32
    %add3A_71 = vector.broadcast %add3A_70 : f32 to vector<256xf32>
    %add3A_72 = arith.addf %get3A_69, %add3A_71 : vector<256xf32>
    %rsqrt3A_73 = math.rsqrt %add3A_72 : vector<256xf32>
    %mul3A_74 = arith.mulf %get3A_67, %rsqrt3A_73 : vector<256xf32>
    %get3A_75 = arith.constant 0 : index
    %get3A_76 = vector.load %arg15[%get3A_75] : memref<256xf32, #tpu.memory_space<vmem>>, vector<256xf32>
    %get3A_77 = arith.constant 0 : index
    %get3A_78 = vector.load %arg18[%get3A_77] : memref<256xf32, #tpu.memory_space<vmem>>, vector<256xf32>
    %sub3A_79 = arith.subf %get3A_76, %get3A_78 : vector<256xf32>
    %broadcast_in_dim3A_80 = vector.shape_cast %sub3A_79 : vector<256xf32> to vector<1x256xf32>
    %add3A_81 = vector.broadcast %broadcast_in_dim3A_80 : vector<1x256xf32> to vector<1024x256xf32>
    %add3A_82 = arith.addf %dot_general3A_65, %add3A_81 : vector<1024x256xf32>
    %broadcast_in_dim3A_83 = vector.shape_cast %mul3A_74 : vector<256xf32> to vector<1x256xf32>
    %mul3A_84 = vector.broadcast %broadcast_in_dim3A_83 : vector<1x256xf32> to vector<1024x256xf32>
    %mul3A_85 = arith.mulf %add3A_82, %mul3A_84 : vector<1024x256xf32>
    %get3A_86 = arith.constant 0 : index
    %get3A_87 = vector.load %arg17[%get3A_86] : memref<256xf32, #tpu.memory_space<vmem>>, vector<256xf32>
    %broadcast_in_dim3A_88 = vector.shape_cast %get3A_87 : vector<256xf32> to vector<1x256xf32>
    %add3A_89 = vector.broadcast %broadcast_in_dim3A_88 : vector<1x256xf32> to vector<1024x256xf32>
    %add3A_90 = arith.addf %mul3A_85, %add3A_89 : vector<1024x256xf32>
    %max3A_91 = arith.constant 0.000000e+00 : f32
    %max3A_92 = vector.broadcast %max3A_91 : f32 to vector<1024x256xf32>
    %max3A_93 = arith.maximumf %add3A_90, %max3A_92 : vector<1024x256xf32>
    %get3A_94 = arith.constant 0 : index
    %get3A_95 = arith.constant 0 : index
    %get3A_96 = vector.load %arg20[%get3A_94, %get3A_95] : memref<1x256xf32, #tpu.memory_space<vmem>>, vector<1x256xf32>
    %dot_general3A_97 = arith.constant dense<0.000000e+00> : vector<1x1024xf32>
    %dot_general3A_98 = tpu.matmul %get3A_96, %max3A_93, %dot_general3A_97 {dimension_numbers = #tpu.dot_dimension_numbers<[1], [1], [0], [0], [0, 0, 1, 0], [], []>, transpose_lhs_hint = false} : vector<1x256xf32>, vector<1024x256xf32>, vector<1x1024xf32> -> vector<1x1024xf32>
    %get3A_99 = arith.constant 0 : index
    %get3A_100 = arith.constant 0 : index
    %get3A_101 = vector.load %arg21[%get3A_99, %get3A_100] : memref<1x1xf32, #tpu.memory_space<vmem>>, vector<1x1xf32>
    %add3A_102 = vector.broadcast %get3A_101 : vector<1x1xf32> to vector<1x1024xf32>
    %add3A_103 = arith.addf %dot_general3A_98, %add3A_102 : vector<1x1024xf32>
    %logistic3A = arith.negf %add3A_103 : vector<1x1024xf32>
    %logistic3A_104 = math.exp %logistic3A : vector<1x1024xf32>
    %logistic3A_105 = arith.constant 1.000000e+00 : f32
    %logistic3A_106 = vector.broadcast %logistic3A_105 : f32 to vector<1x1024xf32>
    %logistic3A_107 = arith.addf %logistic3A_106, %logistic3A_104 : vector<1x1024xf32>
    %logistic3A_108 = arith.divf %logistic3A_106, %logistic3A_107 : vector<1x1024xf32>
    %squeeze3A = vector.shape_cast %logistic3A_108 : vector<1x1024xf32> to vector<1024xf32>
    %swap3A = arith.constant 0 : index
    %swap3A_109 = vector.load %arg22[%swap3A] : memref<1024xf32, #tpu.memory_space<vmem>>, vector<1024xf32>
    tpu.vector_store %arg22[%swap3A], %squeeze3A {strides = array<i32>} : memref<1024xf32, #tpu.memory_space<vmem>>, vector<1024xf32>,
    return
  }
  func.func @transform_0(%arg0: i32) -> (i32, i32) {
    %c0_i32 = arith.constant 0 : i32
    %c0_i32_0 = arith.constant 0 : i32
    return %c0_i32, %arg0 : i32, i32
  }
  func.func @transform_1(%arg0: i32) -> (i32, i32) {
    %c0_i32 = arith.constant 0 : i32
    %c0_i32_0 = arith.constant 0 : i32
    %c0_i32_1 = arith.constant 0 : i32
    return %c0_i32, %c0_i32_0 : i32, i32
  }
  func.func @transform_2(%arg0: i32) -> i32 {
    %c0_i32 = arith.constant 0 : i32
    %c0_i32_0 = arith.constant 0 : i32
    return %c0_i32 : i32
  }
  func.func @transform_3(%arg0: i32) -> i32 {
    %c0_i32 = arith.constant 0 : i32
    %c0_i32_0 = arith.constant 0 : i32
    return %c0_i32 : i32
  }
  func.func @transform_4(%arg0: i32) -> i32 {
    %c0_i32 = arith.constant 0 : i32
    %c0_i32_0 = arith.constant 0 : i32
    return %c0_i32 : i32
  }
  func.func @transform_5(%arg0: i32) -> i32 {
    %c0_i32 = arith.constant 0 : i32
    %c0_i32_0 = arith.constant 0 : i32
    return %c0_i32 : i32
  }
  func.func @transform_6(%arg0: i32) -> i32 {
    %c0_i32 = arith.constant 0 : i32
    %c0_i32_0 = arith.constant 0 : i32
    return %c0_i32 : i32
  }
  func.func @transform_7(%arg0: i32) -> (i32, i32) {
    %c0_i32 = arith.constant 0 : i32
    %c0_i32_0 = arith.constant 0 : i32
    %c0_i32_1 = arith.constant 0 : i32
    return %c0_i32, %c0_i32_0 : i32, i32
  }
  func.func @transform_8(%arg0: i32) -> i32 {
    %c0_i32 = arith.constant 0 : i32
    %c0_i32_0 = arith.constant 0 : i32
    return %c0_i32 : i32
  }
  func.func @transform_9(%arg0: i32) -> i32 {
    %c0_i32 = arith.constant 0 : i32
    %c0_i32_0 = arith.constant 0 : i32
    return %c0_i32 : i32
  }
  func.func @transform_10(%arg0: i32) -> i32 {
    %c0_i32 = arith.constant 0 : i32
    %c0_i32_0 = arith.constant 0 : i32
    return %c0_i32 : i32
  }
  func.func @transform_11(%arg0: i32) -> i32 {
    %c0_i32 = arith.constant 0 : i32
    %c0_i32_0 = arith.constant 0 : i32
    return %c0_i32 : i32
  }
  func.func @transform_12(%arg0: i32) -> i32 {
    %c0_i32 = arith.constant 0 : i32
    %c0_i32_0 = arith.constant 0 : i32
    return %c0_i32 : i32
  }
  func.func @transform_13(%arg0: i32) -> (i32, i32) {
    %c0_i32 = arith.constant 0 : i32
    %c0_i32_0 = arith.constant 0 : i32
    %c0_i32_1 = arith.constant 0 : i32
    return %c0_i32, %c0_i32_0 : i32, i32
  }
  func.func @transform_14(%arg0: i32) -> i32 {
    %c0_i32 = arith.constant 0 : i32
    %c0_i32_0 = arith.constant 0 : i32
    return %c0_i32 : i32
  }
  func.func @transform_15(%arg0: i32) -> i32 {
    %c0_i32 = arith.constant 0 : i32
    %c0_i32_0 = arith.constant 0 : i32
    return %c0_i32 : i32
  }
  func.func @transform_16(%arg0: i32) -> i32 {
    %c0_i32 = arith.constant 0 : i32
    %c0_i32_0 = arith.constant 0 : i32
    return %c0_i32 : i32
  }
  func.func @transform_17(%arg0: i32) -> i32 {
    %c0_i32 = arith.constant 0 : i32
    %c0_i32_0 = arith.constant 0 : i32
    return %c0_i32 : i32
  }
  func.func @transform_18(%arg0: i32) -> i32 {
    %c0_i32 = arith.constant 0 : i32
    %c0_i32_0 = arith.constant 0 : i32
    return %c0_i32 : i32
  }
  func.func @transform_19(%arg0: i32) -> (i32, i32) {
    %c0_i32 = arith.constant 0 : i32
    %c0_i32_0 = arith.constant 0 : i32
    %c0_i32_1 = arith.constant 0 : i32
    return %c0_i32, %c0_i32_0 : i32, i32
  }
  func.func @transform_20(%arg0: i32) -> (i32, i32) {
    %c0_i32 = arith.constant 0 : i32
    %c0_i32_0 = arith.constant 0 : i32
    %c0_i32_1 = arith.constant 0 : i32
    return %c0_i32, %c0_i32_0 : i32, i32
  }
  func.func @transform_21(%arg0: i32) -> i32 {
    %c0_i32 = arith.constant 0 : i32
    return %arg0 : i32
  }
}

</mosaic_0001>

<sc_bundles>
// kernel: sc_emb_gather_t.3.cloned.1.call-start
scs
__scs_entry_jumppad:
0x0: {  	(pc) =	sbr.rel $0x88, $3  }
0x1: {  	(tag) =	ssettag $0x0;
	lr =	simm.s32 $0x1  }
0x2: {  	[smem:$0x3F8B] =	sst lr;
	_ =	strace $0xD0000000  }
0x3: {  	_ = 	snop  }
0x4: {  	_ = 	snop  }
0x5: {  	_ = 	snop  }
0x6: {  	_ = 	snop  }
0x7: {  	_ = 	snop  }
__scs_overlays_trampoline_lowered:
0x8: {  	[smem:$0x3F9A] =	sst s0  }
0x9: {  	[smem:$0x3F9B] =	sst s1  }
0xa: {  	[smem:$0x3F9C] =	sst s2  }
0xb: {  	[smem:$0x3F9D] =	sst s3  }
0xc: {  	[smem:$0x3F9E] =	sst s4  }
0xd: {  	[smem:$0x3F9F] =	sst s5  }
0xe: {  	[smem:$0x3FA0] =	sst s6  }
0xf: {  	[smem:$0x3FA1] =	sst s7  }
0x10: {  	[smem:$0x3FA2] =	sst s8  }
0x11: {  	[smem:$0x3FA3] =	sst s9;
	s0 =	simm.s32 @!p0 $0x0  }
0x12: {  	s1 =	sld [smem:$0x3F89];
	s0 =	simm.s32 @p0 $0x1  }
0x13: {  	[smem:$0x3FA4] =	sst s0;
	s0 =	simm.s32 @!p1 $0x0  }
0x14: {  	s2 =	sld [smem:$0x3F88];
	s0 =	simm.s32 @p1 $0x1  }
0x15: {  	[smem:$0x3FA5] =	sst s0;
	s0 =	simm.s32 @!p2 $0x0  }
0x16: {  	s3 =	sld [smem:$0x3FDB];
	s0 =	simm.s32 @p2 $0x1  }
0x17: {  	s4 =	simm.s32 $0x1BF5;
	[smem:$0x3FA7] =	sst s0  }
0x18: {  	s0 =	sld [smem:$0x3F8A];
	_ =	swait.ge [sflag:s4], $0x0  }
0x19: {  	s7 =	sld [smem:$0x3F8B]  }
0x1a: {  	s8 =	sadd.s32 $0xFFFFE003, lr  }
0x1b: {  	s9 =	sadd.s32 $0xFFFFFEF7, lr;
	s5 =	simm.s32 $0xFFFFFFFF;
	p2 =	slt.u32 s8, $0xFFFFF086  }
0x1c: {  	p1 =	slt.u32 s9, $0xF7A;
	s5 =	simm.s32 @!p2 $0x0  }
0x1d: {  	s5 =	simm.s32 @p1 $0x1;
	p0 =	seq.s32 s7, s2  }
0x1e: {  	s7 =	smul.u32 @!p0 $0xF7A, s2;
	p2 =	seq.s32 @!p0 s5, $0x0  }
0x1f: {  	s9 =	smul.u32 $0xF7A, s1;
	s8 =	simm.s32 @!p0 $0x1BF5;
	p2 =	por !p2, p0  }
0x20: {  	[sflag:s8] =	ssyncset.s32 @!p0 $0xFFFFF086;
	s6 =	sadd.s32 @!p0 s3, s7;
	s7 =	simm.s32 @!p0 $0x108  }
0x21: {  	s3 =	sadd.s32 s3, s9;
	s6 =	sadd.s32 @!p0 $0x88, s6;
	s7 =	simm.s32 @p2 $0x1082  }
0x22: {  	[simem:s7], [sflag:s8] =	dma.local @!p0 [hbm:s6], $0xF7A  }
0x23: {  	s9 =	sor.u32 $0xD0000000, s2;
	s6 =	simm.s32 $0x108;
	_ =	swait.ge @!p0 [sflag:s8], $0x0  }
0x24: {  	s3 =	sadd.s32 $0x88, s3;
	s6 =	simm.s32 @!p1 $0x1082;
	[sflag:s4] =	ssyncset.s32 $0xFFFFF086  }
0x25: {  	[simem:s6], [sflag:s4] =	dma.local [hbm:s3], $0xF7A  }
0x26: {  	[smem:$0x3F8B] =	sst s1;
	(tag) =	ssettag s2;
	_ =	strace s9  }
0x27: {  	s1 =	sld [smem:$0x3F9B]  }
0x28: {  	s2 =	sld [smem:$0x3F9C]  }
0x29: {  	s4 =	sld [smem:$0x3F9E]  }
0x2a: {  	p0 =	seq.s32 s5, $0x0;
	s5 =	sld [smem:$0x3F9F]  }
0x2b: {  	s6 =	sld [smem:$0x3FA0]  }
0x2c: {  	s7 =	sld [smem:$0x3FA1]  }
0x2d: {  	s3 =	simm.s32 $0x108;
	s8 =	sld [smem:$0x3FA2]  }
0x2e: {  	s3 =	simm.s32 @!p0 $0x1082;
	s9 =	sld [smem:$0x3FA3]  }
0x2f: {  	lr =	sadd.s32 s0, s3;
	s0 =	sld [smem:$0x3F9A]  }
0x30: {  	s3 =	sld [smem:$0x3F9D]  }
0x31: {  	[smem:$0x3FA6] =	sst s10  }
0x32: {  	s10 =	sld [smem:$0x3FA4];
	_ =	sdelay $0x3  }
0x33: {  	p0 =	seq.s32 s10, $0x1;
	s10 =	sld [smem:$0x3FA6];
	_ =	sdelay $0x3  }
0x34: {  	[smem:$0x3FA6] =	sst s10  }
0x35: {  	s10 =	sld [smem:$0x3FA5];
	_ =	sdelay $0x3  }
0x36: {  	p1 =	seq.s32 s10, $0x1;
	s10 =	sld [smem:$0x3FA6];
	_ =	sdelay $0x3  }
0x37: {  	[smem:$0x3FA6] =	sst s10  }
0x38: {  	s10 =	sld [smem:$0x3FA7]  }
0x39: {  	_ = 	snop;
	(pc) =	sbr.ind lr, $3  }
0x3a: {  	_ = 	snop  }
0x3b: {  	_ = 	snop  }
0x3c: {  	p2 =	seq.s32 s10, $0x1;
	s10 =	sld [smem:$0x3FA6]  }
0x3d: {  	_ =	shalt  }
0x3e: {  	_ =	shalt  }
0x3f: {  	_ =	shalt  }
0x40: {  	_ =	shalt  }
0x41: {  	_ =	shalt  }
0x42: {  	_ =	shalt  }
0x43: {  	_ =	shalt  }
0x44: {  	_ =	shalt  }
0x45: {  	_ =	shalt  }
0x46: {  	_ =	shalt  }
0x47: {  	_ =	shalt  }
0x48: {  	_ =	shalt  }
0x49: {  	_ =	shalt  }
0x4a: {  	_ =	shalt  }
0x4b: {  	_ =	shalt  }
0x4c: {  	_ =	shalt  }
0x4d: {  	_ =	shalt  }
0x4e: {  	_ =	shalt  }
0x4f: {  	_ =	shalt  }
0x50: {  	_ =	shalt  }
0x51: {  	_ =	shalt  }
0x52: {  	_ =	shalt  }
0x53: {  	_ =	shalt  }
0x54: {  	_ =	shalt  }
0x55: {  	_ =	shalt  }
0x56: {  	_ =	shalt  }
0x57: {  	_ =	shalt  }
0x58: {  	_ =	shalt  }
0x59: {  	_ =	shalt  }
0x5a: {  	_ =	shalt  }
0x5b: {  	_ =	shalt  }
0x5c: {  	_ =	shalt  }
0x5d: {  	_ =	shalt  }
0x5e: {  	_ =	shalt  }
0x5f: {  	_ =	shalt  }
0x60: {  	_ =	shalt  }
0x61: {  	_ =	shalt  }
0x62: {  	_ =	shalt  }
0x63: {  	_ =	shalt  }
0x64: {  	_ =	shalt  }
0x65: {  	_ =	shalt  }
0x66: {  	_ =	shalt  }
0x67: {  	_ =	shalt  }
0x68: {  	_ =	shalt  }
0x69: {  	_ =	shalt  }
0x6a: {  	_ =	shalt  }
0x6b: {  	_ =	shalt  }
0x6c: {  	_ =	shalt  }
0x6d: {  	_ =	shalt  }
0x6e: {  	_ =	shalt  }
0x6f: {  	_ =	shalt  }
0x70: {  	_ =	shalt  }
0x71: {  	_ =	shalt  }
0x72: {  	_ =	shalt  }
0x73: {  	_ =	shalt  }
0x74: {  	_ =	shalt  }
0x75: {  	_ =	shalt  }
0x76: {  	_ =	shalt  }
0x77: {  	_ =	shalt  }
0x78: {  	_ =	shalt  }
0x79: {  	_ =	shalt  }
0x7a: {  	_ =	shalt  }
0x7b: {  	_ =	shalt  }
0x7c: {  	_ =	shalt  }
0x7d: {  	_ =	shalt  }
0x7e: {  	_ =	shalt  }
0x7f: {  	_ =	shalt  }
0x80: {  	_ =	shalt  }
0x81: {  	_ =	shalt  }
0x82: {  	_ =	shalt  }
0x83: {  	_ =	shalt  }
0x84: {  	_ =	shalt  }
0x85: {  	_ =	shalt  }
0x86: {  	_ =	shalt  }
0x87: {  	_ =	shalt  }
.Lfunc_end0:
.L_simem_size_0:
called_computation_lowered:
.L_overlay_start_0:
0x88: {  	s2 =	sld [smem:$0x3FD9]  }
0x89: {  	s3 =	sld [smem:$0x3FFE];
	_ =	sdelay $0x1  }
0x8a: {  	s1 =	srdreg.scid  }
0x8b: {  	s0 =	sand.u32 $0x1, s1  }
0x8c: {  	s17 =	sshll.u32 s0, $0xA;
	s2 =	sadd.s32 s3, s2  }
0x8d: {  	s2 =	sadd.s32 s2, s17  }
0x8e: {  	[smem:$0x3FB2] =	sst s2  }
0x8f: {  	_ = 	snop  }
0x90: {  	s2 =	sld [smem:$0x3FC8]  }
0x91: {  	s18 =	sld [smem:$0x3FD0];
	(tm) =	ssettm $0x1  }
0x92: {  	s4 =	sld [smem:$0x3FFB];
	_ =	sdelay $0x3  }
0x93: {  	_ =	strace s4  }
0x94: {  	s4 =	sld [smem:$0x3FFC];
	_ =	sdelay $0x3  }
0x95: {  	_ =	strace s4  }
0x96: {  	s4 =	sld [smem:$0x3FFD];
	_ =	sdelay $0x3  }
0x97: {  	_ =	strace s4  }
0x98: {  	_ =	strace $0x8FFFFFFF  }
0x99: {  	s19 =	sld [smem:$0x3FDB];
	_ =	sdelay $0x1  }
0x9a: {  	s5 =	simm.s32 $_scs_section_size  }
0x9b: {  	s6 =	simm.s32 $_size__tile_overlayer_lowered;
	s7 =	simm.s32 $_tile_overlayer_lowered  }
0x9c: {  	s22 =	simm.s32 $0x1BFF;
	s21 =	sshll.u32 s7, $0x1;
	s4 =	sadd.s32 s5, s19  }
0x9d: {  	s8 =	simm.s32 $0x0;
	s20 =	sshll.u32 s6, $0x1;
	s6 =	sadd.s32 s21, s4  }
0x9e: {  	[timem:s8], [sflag:s22] =	dma.local [hbm:s6], s20  }
0x9f: {  	_ =	swait.ge [sflag:s22], s20  }
0xa0: {  	s5 =	ssub.s32 $0x0, s20;
	[sflag:s22] =	ssyncset.done $0x0  }
0xa1: {  	[sflag:s22] =	ssyncadd.s32 s5;
	_ =	sdelay $0x1  }
0xa2: {  	s23 =	simm.s32 $0x1B8B  }
0xa3: {  	_ =	swait.ge [sflag:s23], $0x1  }
0xa4: {  	[sflag:s23] =	ssyncset.done $0x0  }
0xa5: {  	s25 =	simm.s32 $0x1B8E;
	s24 =	sld [smem:$0x3FFE];
	[sflag:s23] =	ssyncadd.s32 $0xFFFFFFFF  }
0xa6: {  	s26 =	simm.s32 $execute0_lowered;
	[smem:$0x3FD2] =	sst s25  }
0xa7: {  	s6 =	sshll.u32 s26, $0x1;
	_ =	strace $0x80000046;
	[dreg:$0x1] =	wrdreg $0xFFFFFFFF  }
0xa8: {  	s28 =	simm.s32 $_size_execute0_lowered;
	s4 =	sadd.s32 s4, s6;
	[dreg:$0x0] =	wrdreg $0x0  }
0xa9: {  	s6 =	sshll.u32 s28, $0x1;
	[dreg:$0x2] =	wrdreg s4  }
0xaa: {  	[dreg:$0x3] =	wrdreg s6  }
0xab: {  	[dreg:$0x4] =	wrdreg $0xC0  }
0xac: {  	_ =	task [dreg:s8], $0x5FFFF  }
0xad: {  	[dreg:$0x1] =	wrdreg $0xFFFFFFFF  }
0xae: {  	[dreg:$0x0] =	wrdreg $0x60  }
0xaf: {  	[dreg:$0x2] =	wrdreg s2  }
0xb0: {  	[dreg:$0x3] =	wrdreg s24  }
0xb1: {  	[dreg:$0x4] =	wrdreg s18  }
0xb2: {  	[dreg:$0x5] =	wrdreg $0x9  }
0xb3: {  	_ =	task.clear_ibuf [dreg:s8], $0x6FFFF;
	_ =	strace $0x90000046  }
0xb4: {  	s29 =	simm.s32 $0x9;
	_ =	strace $0x80000048  }
0xb5: {  	_ =	swait.ge [sflag:s29], $0x1  }
0xb6: {  	[sflag:s29] =	ssyncadd.s32 $0xFFFFFFFF  }
0xb7: {  	_ =	strace $0x90000048  }
0xb8: {  	_ =	sfence  }
0xb9: {  	s30 =	sld [smem:$0x0];
	_ =	sdelay $0x2  }
0xba: {  	s31 =	sshll.u32 s1, $0xD;
	s1 =	sshrl.u32 s1, $0x2  }
0xbb: {  	s3 =	sand.u32 $0x4000, s31;
	s1 =	sadd.s32 s1, s30  }
0xbc: {  	s0 =	sor.u32 s3, s0;
	s1 =	sshll.u32 s1, $0x11  }
0xbd: {  	s0 =	sor.u32 s1, s0  }
0xbe: {  	s0 =	sadd.s32 $0x8F2B, s0  }
0xbf: {  	[sflag:s0] =	ssyncadd.remote.s32 $0x1  }
0xc0: {  	_ =	sfence.sel $0xFFFF  }
0xc1: {  	[dreg:$0x0] =	wrdreg $0xFFFFFFFF;
	(pc) =	sbr.abs _section_cstart, $3  }
0xc2: {  	[dreg:$0x1] =	wrdreg $0xFFFFFFFF  }
0xc3: {  	_ =	task.clear_ibuf [dreg:s8], $0x2FFFF;
	_ =	strace $0x9FFFFFFF  }
0xc4: {  	(tm) =	ssettm $0x7FFFFFFF  }
0xc5: {  	_ =	shalt  }
tec
execute0_lowered:
.L_overlay_start_1:
0x0: {  	(tag) =	ssettag $0x1  }
0x1: {  	s2 =	rddreg [dreg:$0x0]  }
0x2: {  	s0 =	rddreg [dreg:$0x1];
	s3 =	simm.s32 $0x0  }
0x3: {  	s1 =	srdreg.scid;
	s6 =	stileid.u32;
	s13 =	simm.s32 $0x1A180  }
0x4: {  	s14 =	simm.s32 $0x3;
	s15 =	simm.s32 $0x2180;
	s16 =	simm.s32 $0xA180  }
0x5: {  	s17 =	simm.s32 $0x4;
	s20 =	simm.s32 $0x1;
	s21 =	simm.s32 $0x12180  }
0x6: {  	s22 =	simm.s32 $0x2;
	[smem:$0x7FF] =	sst s3;
	s5 =	sand.u32 $0x1, s1  }
.Ltmp0:
0x7: {  	s4 =	sadd.s32 $0x3E00, s0;
	s30 =	ssub.s32 $0x2, s5;
	(pc) =	sbr.rel .LBB2_1-.Ltmp0, $4  }
0x8: {  	s7 =	sadd.s32 $0xA00, s0;
	s29 =	sadd.s32 $0x7200, s0;
	s31 =	sshrl.u32 s30, $0x1  }
0x9: {  	s9 =	sadd.s32 $0x7A00, s0;
	s10 =	sshll.u32 s6, $0x1;
	s0 =	ssub.s32 s30, s31  }
0xa: {  	_ =	strace $0x80000047;
	[dreg:$0x4] =	wrdreg s29;
	s0 =	smax.u32 s0, $0x1  }
0xb: {  	v0 =	vlaneseq.u32;
	s11 =	sadd.s32 $0x1000, s2;
	s1 =	simm.s32 $0x0;
	[dreg:$0x5] =	wrdreg s0  }
.LBB2_20:
0xc: {  	s1 =	rddreg [dreg:$0x6]  }
0xd: {  	s0 =	rddreg [dreg:$0x5];
	s1 =	sadd.s32 $0x1, s1  }
0xe: {  	p0 =	sne.s32 s1, s0  }
.Ltmp1:
0xf: {  	_ = 	snop;
	(pc) =	sbr.rel @!p0 .LBB2_21-.Ltmp1, $1  }
0x10: {  	_ =	sdelay $0x3  }
.LBB2_1:
0x11: {  	[dreg:$0x6] =	wrdreg s1  }
.Ltmp2:
0x12: {  	s0 =	rddreg [dreg:$0x4];
	(pc) =	sbr.rel .LBB2_2-.Ltmp2, $4  }
0x13: {  	[tilespmem:s13], [sflag:$0x3] =	stream.linear.gather [hbm4b:s0+s3], $0x4000, $0x38;
	[tilespmem:$0x1E180] =	vst v63  }
0x14: {  	_ =	swait.ge [sflag:s14], $0x4000  }
0x15: {  	[sflag:s14] =	ssyncset.done $0x0  }
0x16: {  	s24 =	simm.s32 $0x0;
	[sflag:s14] =	ssyncadd.s32 $0xFFFFC000  }
.LBB2_17:
0x17: {  	_ =	sdelay $0x4  }
0x18: {  	[tilespmem:v11+s21+$0x0] =	vst.idx.msk vm0, v10  }
.LBB2_18:
0x19: {  	s0 =	sshll.u32 s25, $0xF  }
0x1a: {  	s1 =	sshll.u32 s26, $0xC;
	s0 =	sadd.s32 s9, s0  }
0x1b: {  	s0 =	sadd.s32 s1, s0  }
0x1c: {  	[hbm4b:s0+s3] =	stream.linear.scatter [tilespmem:s21], [sflag:$0x3], $0x8000, $0x38;
	[tilespmem:$0x1E180] =	vst v63  }
0x1d: {  	_ =	swait.ge [sflag:s14], $0x8000  }
0x1e: {  	[sflag:s14] =	ssyncset.done $0x0  }
0x1f: {  	[sflag:s14] =	ssyncadd.s32 $0xFFFF8000  }
.LBB2_19:
0x20: {  	s24 =	sadd.s32 $0x1, s24  }
0x21: {  	p0 =	sne.s32 s24, $0x7  }
.Ltmp3:
0x22: {  	_ = 	snop;
	(pc) =	sbr.rel @!p0 .LBB2_20-.Ltmp3, $1  }
0x23: {  	_ =	sdelay $0x3  }
.LBB2_2:
0x24: {  	s0 =	sshll.u32 s24, $0x5  }
0x25: {  	s0 =	sor.u32 s10, s0  }
0x26: {  	p0 =	sgt.u32 s0, $0xCF  }
.Ltmp4:
0x27: {  	_ = 	snop;
	(pc) =	sbr.rel @p0 .LBB2_19-.Ltmp4, $1  }
0x28: {  	_ =	sdelay $0x3  }
0x29: {  	s1 =	sor.u32 s5, s0  }
0x2a: {  	s2 =	smulhi.u32 $0x4EC4EC4F, s1  }
0x2b: {  	s12 =	smul.u32 $0x4F, s0  }
0x2c: {  	s2 =	sshrl.u32 s2, $0x3  }
0x2d: {  	s0 =	sshrl.u32 s12, $0xB;
	s2 =	smul.u32 $0x1A, s2  }
0x2e: {  	s26 =	sand.u32 $0x1F, s0  }
0x2f: {  	s19 =	smul.u32 $0xF4280, s26;
	s25 =	ssub.s32 s1, s2  }
0x30: {  	s18 =	smul.u32 $0x963E, s25  }
0x31: {  	s23 =	rddreg [dreg:$0x0]  }
0x32: {  	s29 =	sadd.s32 s23, s19;
	s28 =	sand.u32 $0x1FFF80, s18  }
0x33: {  	s30 =	simm.s32 $0x0;
	s0 =	sadd.s32 s28, s29;
	s2 =	sadd.s32 s28, s11  }
0x34: {  	[tilespmem:s15], [sflag:$0x1] =	stream.linear.gather [hbm4b:s0+s30], $0x8000, $0x38;
	[tilespmem:$0x1E180] =	vst v63  }
0x35: {  	s6 =	sshll.u32 s25, $0x9;
	s0 =	sadd.s32 s19, s2  }
0x36: {  	[tilespmem:s16], [sflag:$0x2] =	stream.linear.gather [hbm4b:s0+s30], $0x8000, $0x38;
	[tilespmem:$0x1E180] =	vst v63  }
0x37: {  	s8 =	sadd.s32 s4, s6  }
0x38: {  	[tilespmem:s30], [sflag:$0x4] =	stream.linear.gather [hbm4b:s8+s30], $0x1000, $0x38;
	[tilespmem:$0x1E180] =	vst v63  }
0x39: {  	_ =	swait.ge [sflag:s17], $0x1000  }
0x3a: {  	[sflag:s17] =	ssyncset.done $0x0  }
0x3b: {  	s12 =	simm.s32 $0x1080;
	s0 =	sadd.s32 s7, s6;
	[sflag:s17] =	ssyncadd.s32 $0xFFFFF000  }
0x3c: {  	[tilespmem:s12], [sflag:$0x4] =	stream.linear.gather [hbm4b:s0+s30], $0x1000, $0x38;
	[tilespmem:$0x1E180] =	vst v63  }
0x3d: {  	_ =	swait.ge [sflag:s17], $0x1000  }
0x3e: {  	[sflag:s17] =	ssyncset.done $0x0  }
0x3f: {  	[sflag:s17] =	ssyncadd.s32 $0xFFFFF000  }
0x40: {  	s18 =	sshll.u32 s25, $0x4;
	s19 =	rddreg [dreg:$0x2]  }
0x41: {  	s23 =	simm.s32 $0x2100;
	s0 =	sadd.s32 s19, s18  }
0x42: {  	[tilespmem:s23], [sflag:$0x4] =	stream.linear.gather [hbm4b:s0+s30], $0x80, $0x38;
	[tilespmem:$0x1E180] =	vst v63  }
0x43: {  	_ =	swait.ge [sflag:s17], $0x80  }
0x44: {  	s31 =	sadd.s32 $0x2000, s28;
	[sflag:s17] =	ssyncset.done $0x0  }
0x45: {  	s6 =	sadd.s32 $0x3000, s28;
	s0 =	sadd.s32 $0x1000, s28;
	[sflag:s17] =	ssyncadd.s32 $0xFFFFFF80  }
.LBB2_4:
0x46: {  	_ =	swait.ge [sflag:s20], $0x8000  }
0x47: {  	s1 =	sshll.u32 s30, $0x1;
	[sflag:s20] =	ssyncset.done $0x0  }
0x48: {  	s12 =	sand.u32 $0x3FFFFFFE, s1;
	[sflag:s20] =	ssyncadd.s32 $0xFFFF8000  }
0x49: {  	v1 =	vld [tilespmem:s12+$0x2100]  }
0x4a: {  	v2 =	vld [tilespmem:s12+$0x2140];
	_ =	sdelay $0x3  }
0x4b: {  	(v2sf) =	vpush v1, $0x0  }
0x4c: {  	(v2sf) =	vpush v2, $0x0;
	_ =	sdelay $0xd  }
0x4d: {  	s23 =	spop (v2sf)  }
0x4e: {  	s19 =	spop (v2sf)  }
0x4f: {  	s1 =	ssub.s32 s19, s23  }
0x50: {  	s1 =	sadd.s32 $0xF, s1  }
0x51: {  	s18 =	sshra.s32 s1, $0x4  }
0x52: {  	p0 =	slt.s32 s18, $0x1  }
.Ltmp5:
0x53: {  	_ = 	snop;
	(pc) =	sbr.rel @p0 .LBB2_8-.Ltmp5, $2  }
0x54: {  	_ =	sdelay $0x2  }
0x55: {  	s8 =	sshll.u32 s30, $0xD  }
0x56: {  	s1 =	sshll.u32 s23, $0x2  }
0x57: {  	s1 =	sshra.s32 s1, $0x2  }
0x58: {  	s2 =	sadd.s32 $0x1080, s1  }
0x59: {  	v3 =	vld [tilespmem:s2+$0x0];
	_ =	sdelay $0x1  }
0x5a: {  	s19 =	sadd.s32 s28, s8  }
0x5b: {  	s19 =	smin.u32 s19, $0xF3200  }
0x5c: {  	v1 =	vmov s19  }
0x5d: {  	v4 =	vsub.s32 v3, v1  }
0x5e: {  	v5 =	vld [tilespmem:s1+$0x0];
	v4 =	vshll.u32 v4, $0x3  }
0x5f: {  	v3 =	vand.u32 $0x7F, v3;
	v4 =	vand.u32 $0x7C00, v4  }
0x60: {  	v3 =	vor.u32 v3, v4;
	_ =	sdelay $0x1  }
0x61: {  	v2 =	vbroadcast v2, $0x0  }
0x62: {  	v6 =	vshll.u32 v5, $0x3;
	v4 =	vadd.s32 s23, v0  }
0x63: {  	vm0 =	vlt.s32 v4, v2;
	v4 =	vand.u32 $0x7F, v5;
	v5 =	vand.u32 $0x7C00, v6  }
0x64: {  	v4 =	vor.u32 v4, v5;
	v6 =	vld.idx.msk [tilespmem:v3+s15+$0x0], $0xffff  }
0x65: {  	v5 =	vor.u32 $0x80, v3;
	_ =	sdelay $0x3  }
0x66: {  	[tilespmem:v4+s21+$0x0] =	vst.idx.msk vm0, v6  }
0x67: {  	v6 =	vor.u32 $0x80, v4;
	v5 =	vld.idx.msk [tilespmem:v5+s15+$0x0], $0xffff  }
0x68: {  	v7 =	vor.u32 $0x100, v3;
	_ =	sdelay $0x3  }
0x69: {  	[tilespmem:v6+s21+$0x0] =	vst.idx.msk vm0, v5  }
0x6a: {  	v6 =	vor.u32 $0x100, v4;
	v5 =	vld.idx.msk [tilespmem:v7+s15+$0x0], $0xffff  }
0x6b: {  	v7 =	vor.u32 $0x180, v3;
	_ =	sdelay $0x3  }
0x6c: {  	[tilespmem:v6+s21+$0x0] =	vst.idx.msk vm0, v5  }
0x6d: {  	v6 =	vor.u32 $0x180, v4;
	v5 =	vld.idx.msk [tilespmem:v7+s15+$0x0], $0xffff  }
0x6e: {  	v7 =	vor.u32 $0x200, v3;
	_ =	sdelay $0x3  }
0x6f: {  	[tilespmem:v6+s21+$0x0] =	vst.idx.msk vm0, v5  }
0x70: {  	v6 =	vor.u32 $0x200, v4;
	v5 =	vld.idx.msk [tilespmem:v7+s15+$0x0], $0xffff  }
0x71: {  	v7 =	vor.u32 $0x280, v3;
	_ =	sdelay $0x3  }
0x72: {  	[tilespmem:v6+s21+$0x0] =	vst.idx.msk vm0, v5  }
0x73: {  	v6 =	vor.u32 $0x280, v4;
	v5 =	vld.idx.msk [tilespmem:v7+s15+$0x0], $0xffff  }
0x74: {  	v7 =	vor.u32 $0x300, v3;
	_ =	sdelay $0x3  }
0x75: {  	[tilespmem:v6+s21+$0x0] =	vst.idx.msk vm0, v5  }
0x76: {  	v6 =	vor.u32 $0x300, v4;
	v5 =	vld.idx.msk [tilespmem:v7+s15+$0x0], $0xffff  }
0x77: {  	p0 =	sne.s32 s18, $0x1;
	v3 =	vor.u32 $0x380, v3  }
.Ltmp6:
0x78: {  	_ = 	snop;
	(pc) =	sbr.rel @!p0 .LBB2_7-.Ltmp6, $3  }
0x79: {  	_ =	sdelay $0x1  }
0x7a: {  	[tilespmem:v6+s21+$0x0] =	vst.idx.msk vm0, v5  }
0x7b: {  	s18 =	sadd.s32 $0xFFFFFFFF, s18;
	v4 =	vor.u32 $0x380, v4;
	v3 =	vld.idx.msk [tilespmem:v3+s15+$0x0], $0xffff  }
.LBB2_6:
0x7c: {  	_ =	sdelay $0x3  }
0x7d: {  	s1 =	sadd.s32 $0x10, s1;
	s2 =	sadd.s32 $0x10, s2;
	s23 =	sadd.s32 $0x10, s23;
	[tilespmem:v4+s21+$0x0] =	vst.idx.msk vm0, v3  }
0x7e: {  	p0 =	sne.s32 s18, $0x1;
	s18 =	sadd.s32 $0xFFFFFFFF, s18;
	v3 =	vld [tilespmem:s2+$0x0];
	_ =	sdelay $0x4  }
0x7f: {  	v4 =	vsub.s32 v3, v1  }
0x80: {  	v4 =	vshll.u32 v4, $0x3  }
0x81: {  	v3 =	vand.u32 $0x7F, v3;
	v5 =	vld [tilespmem:s1+$0x0];
	v4 =	vand.u32 $0x7C00, v4  }
0x82: {  	v3 =	vor.u32 v3, v4;
	_ =	sdelay $0x3  }
0x83: {  	v4 =	vadd.s32 s23, v0;
	v6 =	vshll.u32 v5, $0x3  }
0x84: {  	vm0 =	vlt.s32 v4, v2;
	v5 =	vand.u32 $0x7F, v5;
	v4 =	vld.idx.msk [tilespmem:v3+s15+$0x0], $0xffff;
	v6 =	vand.u32 $0x7C00, v6  }
0x85: {  	v5 =	vor.u32 v5, v6  }
0x86: {  	v6 =	vor.u32 $0x80, v3;
	_ =	sdelay $0x3  }
0x87: {  	[tilespmem:v5+s21+$0x0] =	vst.idx.msk vm0, v4  }
0x88: {  	v4 =	vld.idx.msk [tilespmem:v6+s15+$0x0], $0xffff  }
0x89: {  	v6 =	vor.u32 $0x80, v5  }
0x8a: {  	v7 =	vor.u32 $0x100, v3;
	_ =	sdelay $0x3  }
0x8b: {  	[tilespmem:v6+s21+$0x0] =	vst.idx.msk vm0, v4  }
0x8c: {  	v4 =	vld.idx.msk [tilespmem:v7+s15+$0x0], $0xffff  }
0x8d: {  	v6 =	vor.u32 $0x100, v5  }
0x8e: {  	v7 =	vor.u32 $0x180, v3;
	_ =	sdelay $0x3  }
0x8f: {  	[tilespmem:v6+s21+$0x0] =	vst.idx.msk vm0, v4  }
0x90: {  	v4 =	vld.idx.msk [tilespmem:v7+s15+$0x0], $0xffff  }
0x91: {  	v6 =	vor.u32 $0x180, v5  }
0x92: {  	v7 =	vor.u32 $0x200, v3;
	_ =	sdelay $0x3  }
0x93: {  	[tilespmem:v6+s21+$0x0] =	vst.idx.msk vm0, v4  }
0x94: {  	v4 =	vld.idx.msk [tilespmem:v7+s15+$0x0], $0xffff  }
0x95: {  	v6 =	vor.u32 $0x200, v5  }
0x96: {  	v7 =	vor.u32 $0x280, v3;
	_ =	sdelay $0x3  }
0x97: {  	[tilespmem:v6+s21+$0x0] =	vst.idx.msk vm0, v4  }
0x98: {  	v4 =	vld.idx.msk [tilespmem:v7+s15+$0x0], $0xffff  }
0x99: {  	v6 =	vor.u32 $0x280, v5  }
0x9a: {  	v7 =	vor.u32 $0x300, v3;
	_ =	sdelay $0x3  }
0x9b: {  	[tilespmem:v6+s21+$0x0] =	vst.idx.msk vm0, v4  }
0x9c: {  	v4 =	vld.idx.msk [tilespmem:v7+s15+$0x0], $0xffff  }
0x9d: {  	v6 =	vor.u32 $0x300, v5  }
0x9e: {  	v3 =	vor.u32 $0x380, v3;
	_ =	sdelay $0x1  }
.Ltmp7:
0x9f: {  	(pc) =	sbr.rel @p0 .LBB2_6-.Ltmp7, $4  }
0xa0: {  	_ = 	snop  }
0xa1: {  	[tilespmem:v6+s21+$0x0] =	vst.idx.msk vm0, v4  }
0xa2: {  	v3 =	vld.idx.msk [tilespmem:v3+s15+$0x0], $0xffff  }
0xa3: {  	v4 =	vor.u32 $0x380, v5  }
.LBB2_7:
0xa4: {  	_ =	sdelay $0x4  }
0xa5: {  	[tilespmem:v4+s21+$0x0] =	vst.idx.msk vm0, v3  }
.LBB2_8:
0xa6: {  	p0 =	seq.s32 s30, $0x4  }
0xa7: {  	s1 =	sadd.s32 @!p0 s8, s31  }
0xa8: {  	s1 =	smin.u32 @!p0 s1, $0xF3200  }
0xa9: {  	s2 =	simm.s32 @!p0 $0x0;
	s18 =	simm.s32 @!p0 $0x2180;
	s1 =	sadd.s32 @!p0 s1, s29  }
0xaa: {  	[tilespmem:s18], [sflag:$0x1] =	stream.linear.gather @!p0 [hbm4b:s1+s2], $0x8000, $0x38;
	[tilespmem:$0x1E180] =	vst v63  }
0xab: {  	_ =	swait.ge [sflag:s22], $0x8000  }
0xac: {  	[sflag:s22] =	ssyncset.done $0x0  }
0xad: {  	[sflag:s22] =	ssyncadd.s32 $0xFFFF8000  }
0xae: {  	v1 =	vld [tilespmem:s12+$0x2101]  }
0xaf: {  	v2 =	vld [tilespmem:s12+$0x2141];
	_ =	sdelay $0x3  }
0xb0: {  	(v2sf) =	vpush v1, $0x0  }
0xb1: {  	(v2sf) =	vpush v2, $0x0;
	_ =	sdelay $0xd  }
0xb2: {  	s12 =	spop (v2sf)  }
0xb3: {  	s23 =	spop (v2sf)  }
0xb4: {  	s1 =	ssub.s32 s23, s12  }
0xb5: {  	s1 =	sadd.s32 $0xF, s1  }
0xb6: {  	s18 =	sshra.s32 s1, $0x4  }
0xb7: {  	p1 =	slt.s32 s18, $0x1  }
.Ltmp8:
0xb8: {  	_ = 	snop;
	(pc) =	sbr.rel @p1 .LBB2_12-.Ltmp8, $1  }
0xb9: {  	_ =	sdelay $0x3  }
0xba: {  	s1 =	sshll.u32 s12, $0x2  }
0xbb: {  	s1 =	sshra.s32 s1, $0x2  }
0xbc: {  	s2 =	sadd.s32 $0x1080, s1  }
0xbd: {  	v3 =	vld [tilespmem:s2+$0x0];
	_ =	sdelay $0x1  }
0xbe: {  	s19 =	sadd.s32 s8, s0  }
0xbf: {  	s19 =	smin.u32 s19, $0xF3200  }
0xc0: {  	v1 =	vmov s19  }
0xc1: {  	v3 =	vsub.s32 v3, v1  }
0xc2: {  	v5 =	vld [tilespmem:s1+$0x0];
	v4 =	vshll.u32 v3, $0x3  }
0xc3: {  	v3 =	vand.u32 $0x7F, v3;
	v4 =	vand.u32 $0x7C00, v4  }
0xc4: {  	v3 =	vor.u32 v3, v4;
	_ =	sdelay $0x1  }
0xc5: {  	v2 =	vbroadcast v2, $0x0  }
0xc6: {  	v6 =	vshll.u32 v5, $0x3;
	v4 =	vadd.s32 s12, v0  }
0xc7: {  	vm0 =	vlt.s32 v4, v2;
	v4 =	vand.u32 $0x7F, v5;
	v5 =	vand.u32 $0x7C00, v6  }
0xc8: {  	v4 =	vor.u32 v4, v5;
	v6 =	vld.idx.msk [tilespmem:v3+s16+$0x0], $0xffff  }
0xc9: {  	v5 =	vor.u32 $0x80, v3;
	_ =	sdelay $0x3  }
0xca: {  	[tilespmem:v4+s21+$0x0] =	vst.idx.msk vm0, v6  }
0xcb: {  	v6 =	vor.u32 $0x80, v4;
	v5 =	vld.idx.msk [tilespmem:v5+s16+$0x0], $0xffff  }
0xcc: {  	v7 =	vor.u32 $0x100, v3;
	_ =	sdelay $0x3  }
0xcd: {  	[tilespmem:v6+s21+$0x0] =	vst.idx.msk vm0, v5  }
0xce: {  	v6 =	vor.u32 $0x100, v4;
	v5 =	vld.idx.msk [tilespmem:v7+s16+$0x0], $0xffff  }
0xcf: {  	v7 =	vor.u32 $0x180, v3;
	_ =	sdelay $0x3  }
0xd0: {  	[tilespmem:v6+s21+$0x0] =	vst.idx.msk vm0, v5  }
0xd1: {  	v6 =	vor.u32 $0x180, v4;
	v5 =	vld.idx.msk [tilespmem:v7+s16+$0x0], $0xffff  }
0xd2: {  	v7 =	vor.u32 $0x200, v3;
	_ =	sdelay $0x3  }
0xd3: {  	[tilespmem:v6+s21+$0x0] =	vst.idx.msk vm0, v5  }
0xd4: {  	v6 =	vor.u32 $0x200, v4;
	v5 =	vld.idx.msk [tilespmem:v7+s16+$0x0], $0xffff  }
0xd5: {  	v7 =	vor.u32 $0x280, v3;
	_ =	sdelay $0x3  }
0xd6: {  	[tilespmem:v6+s21+$0x0] =	vst.idx.msk vm0, v5  }
0xd7: {  	v6 =	vor.u32 $0x280, v4;
	v5 =	vld.idx.msk [tilespmem:v7+s16+$0x0], $0xffff  }
0xd8: {  	v7 =	vor.u32 $0x300, v3;
	_ =	sdelay $0x3  }
0xd9: {  	[tilespmem:v6+s21+$0x0] =	vst.idx.msk vm0, v5  }
0xda: {  	v6 =	vor.u32 $0x300, v4;
	v5 =	vld.idx.msk [tilespmem:v7+s16+$0x0], $0xffff  }
0xdb: {  	p1 =	sne.s32 s18, $0x1;
	v3 =	vor.u32 $0x380, v3  }
.Ltmp9:
0xdc: {  	_ = 	snop;
	(pc) =	sbr.rel @!p1 .LBB2_11-.Ltmp9, $3  }
0xdd: {  	_ =	sdelay $0x1  }
0xde: {  	[tilespmem:v6+s21+$0x0] =	vst.idx.msk vm0, v5  }
0xdf: {  	s18 =	sadd.s32 $0xFFFFFFFF, s18;
	v4 =	vor.u32 $0x380, v4;
	v3 =	vld.idx.msk [tilespmem:v3+s16+$0x0], $0xffff  }
.LBB2_10:
0xe0: {  	_ =	sdelay $0x3  }
0xe1: {  	s1 =	sadd.s32 $0x10, s1;
	s2 =	sadd.s32 $0x10, s2;
	s12 =	sadd.s32 $0x10, s12;
	[tilespmem:v4+s21+$0x0] =	vst.idx.msk vm0, v3  }
0xe2: {  	p1 =	sne.s32 s18, $0x1;
	s18 =	sadd.s32 $0xFFFFFFFF, s18;
	v3 =	vld [tilespmem:s2+$0x0];
	_ =	sdelay $0x4  }
0xe3: {  	v3 =	vsub.s32 v3, v1  }
0xe4: {  	v4 =	vshll.u32 v3, $0x3  }
0xe5: {  	v3 =	vand.u32 $0x7F, v3;
	v5 =	vld [tilespmem:s1+$0x0];
	v4 =	vand.u32 $0x7C00, v4  }
0xe6: {  	v3 =	vor.u32 v3, v4;
	_ =	sdelay $0x3  }
0xe7: {  	v4 =	vadd.s32 s12, v0;
	v6 =	vshll.u32 v5, $0x3  }
0xe8: {  	vm0 =	vlt.s32 v4, v2;
	v5 =	vand.u32 $0x7F, v5;
	v4 =	vld.idx.msk [tilespmem:v3+s16+$0x0], $0xffff;
	v6 =	vand.u32 $0x7C00, v6  }
0xe9: {  	v5 =	vor.u32 v5, v6  }
0xea: {  	v6 =	vor.u32 $0x80, v3;
	_ =	sdelay $0x3  }
0xeb: {  	[tilespmem:v5+s21+$0x0] =	vst.idx.msk vm0, v4  }
0xec: {  	v4 =	vld.idx.msk [tilespmem:v6+s16+$0x0], $0xffff  }
0xed: {  	v6 =	vor.u32 $0x80, v5  }
0xee: {  	v7 =	vor.u32 $0x100, v3;
	_ =	sdelay $0x3  }
0xef: {  	[tilespmem:v6+s21+$0x0] =	vst.idx.msk vm0, v4  }
0xf0: {  	v4 =	vld.idx.msk [tilespmem:v7+s16+$0x0], $0xffff  }
0xf1: {  	v6 =	vor.u32 $0x100, v5  }
0xf2: {  	v7 =	vor.u32 $0x180, v3;
	_ =	sdelay $0x3  }
0xf3: {  	[tilespmem:v6+s21+$0x0] =	vst.idx.msk vm0, v4  }
0xf4: {  	v4 =	vld.idx.msk [tilespmem:v7+s16+$0x0], $0xffff  }
0xf5: {  	v6 =	vor.u32 $0x180, v5  }
0xf6: {  	v7 =	vor.u32 $0x200, v3;
	_ =	sdelay $0x3  }
0xf7: {  	[tilespmem:v6+s21+$0x0] =	vst.idx.msk vm0, v4  }
0xf8: {  	v4 =	vld.idx.msk [tilespmem:v7+s16+$0x0], $0xffff  }
0xf9: {  	v6 =	vor.u32 $0x200, v5  }
0xfa: {  	v7 =	vor.u32 $0x280, v3;
	_ =	sdelay $0x3  }
0xfb: {  	[tilespmem:v6+s21+$0x0] =	vst.idx.msk vm0, v4  }
0xfc: {  	v4 =	vld.idx.msk [tilespmem:v7+s16+$0x0], $0xffff  }
0xfd: {  	v6 =	vor.u32 $0x280, v5  }
0xfe: {  	v7 =	vor.u32 $0x300, v3;
	_ =	sdelay $0x3  }
0xff: {  	[tilespmem:v6+s21+$0x0] =	vst.idx.msk vm0, v4  }
0x100: {  	v4 =	vld.idx.msk [tilespmem:v7+s16+$0x0], $0xffff  }
0x101: {  	v6 =	vor.u32 $0x300, v5  }
0x102: {  	v3 =	vor.u32 $0x380, v3;
	_ =	sdelay $0x1  }
.Ltmp10:
0x103: {  	(pc) =	sbr.rel @p1 .LBB2_10-.Ltmp10, $4  }
0x104: {  	_ = 	snop  }
0x105: {  	[tilespmem:v6+s21+$0x0] =	vst.idx.msk vm0, v4  }
0x106: {  	v3 =	vld.idx.msk [tilespmem:v3+s16+$0x0], $0xffff  }
0x107: {  	v4 =	vor.u32 $0x380, v5  }
.LBB2_11:
0x108: {  	_ =	sdelay $0x4  }
0x109: {  	[tilespmem:v4+s21+$0x0] =	vst.idx.msk vm0, v3  }
.LBB2_12:
.Ltmp11:
0x10a: {  	(pc) =	sbr.rel @p0 .LBB2_14-.Ltmp11, $1  }
0x10b: {  	_ =	sdelay $0x3  }
.Ltmp12:
0x10c: {  	(pc) =	sbr.rel .LBB2_4-.Ltmp12, $4  }
0x10d: {  	s1 =	sadd.s32 s8, s6  }
0x10e: {  	s1 =	smin.u32 s1, $0xF3200  }
0x10f: {  	s30 =	sadd.s32 $0x1, s30;
	s1 =	sadd.s32 s1, s29  }
0x110: {  	[tilespmem:s16], [sflag:$0x2] =	stream.linear.gather [hbm4b:s1+s3], $0x8000, $0x38;
	[tilespmem:$0x1E180] =	vst v63  }
.LBB2_14:
0x111: {  	v1 =	vld [tilespmem:$0x210A]  }
0x112: {  	v2 =	vld [tilespmem:$0x214A];
	_ =	sdelay $0x3  }
0x113: {  	(v2sf) =	vpush v1, $0x0  }
0x114: {  	(v2sf) =	vpush v2, $0x0;
	_ =	sdelay $0xd  }
0x115: {  	s0 =	spop (v2sf)  }
0x116: {  	s1 =	spop (v2sf)  }
0x117: {  	s1 =	ssub.s32 s1, s0  }
0x118: {  	s1 =	sadd.s32 $0xF, s1  }
0x119: {  	s2 =	sshra.s32 s1, $0x4  }
0x11a: {  	p0 =	slt.s32 s2, $0x1  }
.Ltmp13:
0x11b: {  	_ = 	snop;
	(pc) =	sbr.rel @p0 .LBB2_18-.Ltmp13, $1  }
0x11c: {  	_ =	sdelay $0x3  }
0x11d: {  	s1 =	sshll.u32 s0, $0x2  }
0x11e: {  	s6 =	sshra.s32 s1, $0x2  }
0x11f: {  	s1 =	sadd.s32 $0x1080, s6  }
0x120: {  	v1 =	vld [tilespmem:s1+$0x0];
	_ =	sdelay $0x4  }
0x121: {  	s8 =	sshll.u32 s26, $0x3;
	v4 =	vld [tilespmem:s6+$0x0];
	v3 =	vshll.u32 v1, $0x7  }
0x122: {  	v1 =	vmov s8;
	v10 =	vand.u32 $0x3F80, v3  }
0x123: {  	v5 =	vor.u32 v1, v10;
	_ =	sdelay $0x1  }
0x124: {  	v2 =	vbroadcast v2, $0x0  }
0x125: {  	v6 =	vshll.u32 v4, $0x3;
	v3 =	vadd.s32 s0, v0  }
0x126: {  	v4 =	vand.u32 $0x7F, v4;
	v6 =	vand.u32 $0x7C00, v6;
	vm0 =	vlt.s32 v3, v2  }
0x127: {  	v11 =	vor.u32 v4, v6;
	v3 =	vor.u32 $0x1, v1;
	v5 =	vld.idx.msk [tilespmem:v5+s13+$0x0], $0xffff  }
0x128: {  	v6 =	vor.u32 v3, v10;
	_ =	sdelay $0x3  }
0x129: {  	[tilespmem:v11+s21+$0x0] =	vst.idx.msk vm0, v5  }
0x12a: {  	v4 =	vor.u32 $0x2, v1;
	v5 =	vld.idx.msk [tilespmem:v6+s13+$0x0], $0xffff;
	v6 =	vor.u32 $0x80, v11  }
0x12b: {  	v7 =	vor.u32 v4, v10;
	_ =	sdelay $0x3  }
0x12c: {  	[tilespmem:v6+s21+$0x0] =	vst.idx.msk vm0, v5  }
0x12d: {  	v5 =	vor.u32 $0x3, v1;
	v6 =	vld.idx.msk [tilespmem:v7+s13+$0x0], $0xffff;
	v7 =	vor.u32 $0x100, v11  }
0x12e: {  	v8 =	vor.u32 v5, v10;
	_ =	sdelay $0x3  }
0x12f: {  	[tilespmem:v7+s21+$0x0] =	vst.idx.msk vm0, v6  }
0x130: {  	v6 =	vor.u32 $0x4, v1;
	v7 =	vld.idx.msk [tilespmem:v8+s13+$0x0], $0xffff;
	v8 =	vor.u32 $0x180, v11  }
0x131: {  	v9 =	vor.u32 v6, v10;
	_ =	sdelay $0x3  }
0x132: {  	[tilespmem:v8+s21+$0x0] =	vst.idx.msk vm0, v7  }
0x133: {  	v7 =	vor.u32 $0x5, v1;
	v8 =	vld.idx.msk [tilespmem:v9+s13+$0x0], $0xffff;
	v9 =	vor.u32 $0x200, v11  }
0x134: {  	v12 =	vor.u32 v7, v10;
	_ =	sdelay $0x3  }
0x135: {  	[tilespmem:v9+s21+$0x0] =	vst.idx.msk vm0, v8  }
0x136: {  	v62 =	vor.u32 $0x280, v11;
	v8 =	vor.u32 $0x6, v1;
	v9 =	vld.idx.msk [tilespmem:v12+s13+$0x0], $0xffff  }
0x137: {  	v13 =	vor.u32 v8, v10;
	_ =	sdelay $0x3  }
0x138: {  	[tilespmem:v62+s21+$0x0] =	vst.idx.msk vm0, v9  }
0x139: {  	v63 =	vor.u32 $0x300, v11;
	v9 =	vor.u32 $0x7, v1;
	v12 =	vld.idx.msk [tilespmem:v13+s13+$0x0], $0xffff  }
0x13a: {  	v10 =	vor.u32 v9, v10;
	_ =	sdelay $0x3  }
0x13b: {  	p0 =	sne.s32 s2, $0x1;
	[tilespmem:v63+s21+$0x0] =	vst.idx.msk vm0, v12  }
.Ltmp14:
0x13c: {  	v11 =	vor.u32 $0x380, v11;
	v10 =	vld.idx.msk [tilespmem:v10+s13+$0x0], $0xffff;
	(pc) =	sbr.rel @!p0 .LBB2_17-.Ltmp14, $2  }
0x13d: {  	_ =	sdelay $0x2  }
0x13e: {  	s2 =	sadd.s32 $0xFFFFFFFF, s2  }
.LBB2_16:
0x13f: {  	[tilespmem:v11+s21+$0x0] =	vst.idx.msk vm0, v10;
	s6 =	sadd.s32 $0x10, s6;
	s1 =	sadd.s32 $0x10, s1;
	s0 =	sadd.s32 $0x10, s0  }
0x140: {  	p0 =	sne.s32 s2, $0x1;
	s2 =	sadd.s32 $0xFFFFFFFF, s2;
	v10 =	vld [tilespmem:s1+$0x0];
	_ =	sdelay $0x4  }
0x141: {  	v10 =	vshll.u32 v10, $0x7  }
0x142: {  	v11 =	vld [tilespmem:s6+$0x0];
	v10 =	vand.u32 $0x3F80, v10  }
0x143: {  	v12 =	vor.u32 v1, v10;
	_ =	sdelay $0x3  }
0x144: {  	v13 =	vadd.s32 s0, v0;
	v14 =	vshll.u32 v11, $0x3  }
0x145: {  	vm0 =	vlt.s32 v13, v2;
	v11 =	vand.u32 $0x7F, v11;
	v12 =	vld.idx.msk [tilespmem:v12+s13+$0x0], $0xffff;
	v13 =	vand.u32 $0x7C00, v14  }
0x146: {  	v11 =	vor.u32 v11, v13  }
0x147: {  	v13 =	vor.u32 v3, v10;
	_ =	sdelay $0x3  }
0x148: {  	[tilespmem:v11+s21+$0x0] =	vst.idx.msk vm0, v12  }
0x149: {  	v12 =	vld.idx.msk [tilespmem:v13+s13+$0x0], $0xffff  }
0x14a: {  	v13 =	vor.u32 $0x80, v11  }
0x14b: {  	v14 =	vor.u32 v4, v10;
	_ =	sdelay $0x3  }
0x14c: {  	[tilespmem:v13+s21+$0x0] =	vst.idx.msk vm0, v12  }
0x14d: {  	v12 =	vld.idx.msk [tilespmem:v14+s13+$0x0], $0xffff  }
0x14e: {  	v13 =	vor.u32 $0x100, v11  }
0x14f: {  	v14 =	vor.u32 v5, v10;
	_ =	sdelay $0x3  }
0x150: {  	[tilespmem:v13+s21+$0x0] =	vst.idx.msk vm0, v12  }
0x151: {  	v12 =	vld.idx.msk [tilespmem:v14+s13+$0x0], $0xffff  }
0x152: {  	v13 =	vor.u32 $0x180, v11  }
0x153: {  	v14 =	vor.u32 v6, v10;
	_ =	sdelay $0x3  }
0x154: {  	[tilespmem:v13+s21+$0x0] =	vst.idx.msk vm0, v12  }
0x155: {  	v12 =	vld.idx.msk [tilespmem:v14+s13+$0x0], $0xffff  }
0x156: {  	v13 =	vor.u32 $0x200, v11  }
0x157: {  	v14 =	vor.u32 v7, v10;
	_ =	sdelay $0x3  }
0x158: {  	[tilespmem:v13+s21+$0x0] =	vst.idx.msk vm0, v12  }
0x159: {  	v12 =	vld.idx.msk [tilespmem:v14+s13+$0x0], $0xffff  }
0x15a: {  	v13 =	vor.u32 $0x280, v11  }
0x15b: {  	v14 =	vor.u32 v8, v10;
	_ =	sdelay $0x3  }
0x15c: {  	[tilespmem:v13+s21+$0x0] =	vst.idx.msk vm0, v12  }
0x15d: {  	v12 =	vld.idx.msk [tilespmem:v14+s13+$0x0], $0xffff  }
0x15e: {  	v13 =	vor.u32 $0x300, v11  }
0x15f: {  	v10 =	vor.u32 v9, v10;
	_ =	sdelay $0x1  }
.Ltmp15:
0x160: {  	(pc) =	sbr.rel @p0 .LBB2_16-.Ltmp15, $4  }
0x161: {  	_ = 	snop  }
0x162: {  	[tilespmem:v13+s21+$0x0] =	vst.idx.msk vm0, v12  }
0x163: {  	v10 =	vld.idx.msk [tilespmem:v10+s13+$0x0], $0xffff  }
0x164: {  	v11 =	vor.u32 $0x380, v11  }
.Ltmp16:
0x165: {  	_ = 	snop;
	(pc) =	sbr.rel .LBB2_17-.Ltmp16, $1  }
0x166: {  	_ =	sdelay $0x3  }
.LBB2_21:
0x167: {  	_ =	sfence.sel $0x180000  }
0x168: {  	[bflag:$0x0] =	sbarrier.arrive $0xFFFF  }
0x169: {  	_ =	strace $0x90000047  }
0x16a: {  	s0 =	stileid.u32;
	[bflag:$0x2] =	sbarrier.arrive $0xFFFF  }
0x16b: {  	p0 =	sne.s32 s0, $0x0;
	s0 =	rddreg [dreg:$0x3]  }
0x16c: {  	s0 =	sadd.s32 @!p0 $0x100000, s0  }
0x16d: {  	[sflag:s0] =	ssyncadd.tile.s32 @!p0 $0x1;
	_ =	shalt  }
.Lfunc_end2:
_tile_overlayer_lowered:
.L_overlay_start_2:
0x16e: {  	(tag) =	ssettag $0x2  }
0x16f: {  	s0 =	rddreg [dreg:$0x0];
	s2 =	stileid.u32  }
0x170: {  	s1 =	rddreg [dreg:$0x1];
	p0 =	sne.s32 s2, $0x0  }
0x171: {  	s3 =	rddreg [dreg:$0x2];
	[bflag:$0x3] =	sbarrier.arrive $0xFFFF;
	s2 =	simm.s32 @!p0 $0x1C03  }
0x172: {  	[timem:s3], [sflag:s2] =	dma.local @!p0 [hbm:s0], s1  }
0x173: {  	s0 =	simm.s32 @!p0 $0x3  }
0x174: {  	_ =	swait.ge @!p0 [sflag:s0], s1  }
0x175: {  	s1 =	ssub.s32 @!p0 $0x0, s1;
	[sflag:s0] =	ssyncset.done @!p0 $0x0  }
0x176: {  	[sflag:s0] =	ssyncadd.s32 @!p0 s1  }
0x177: {  	[bflag:$0x3] =	sbarrier.arrive $0xFFFF  }
0x178: {  	_ =	shalt  }

</sc_bundles>
